<compile_context>
chip_gen: v7x
topology: tpu7x:2x2x1
jax: 0.10.2.dev20260603
libtpu: 0.0.44.dev20260713+nightly
codegen_flags: <defaults>
</compile_context>

<pallas_src>
import functools

import numpy as np
import jax
import jax.numpy as jnp
from jax import lax
from jax.experimental import pallas as pl
from jax.experimental.pallas import tpu as pltpu
from jax.experimental.pallas import tpu_sc as plsc

_VOCAB, _EMBED, _OUT = 100000, 32, 128
_B, _L = 4096, 50
_NW = 32
_CH = 128
_RPW = _B // _NW
_IPW = _RPW * _L
_NCH = _IPW // _CH

_DST3 = (
    (np.arange(_IPW, dtype=np.int32) // _L).reshape(1, _NCH, _CH)
    + (np.arange(16, dtype=np.int32) * 2 * _RPW).reshape(16, 1, 1)
    + (np.arange(_NCH, dtype=np.int32) // 2 % 2 * _RPW).reshape(1, _NCH, 1)
)
_NSUP = _NCH // 2

_mesh = plsc.VectorSubcoreMesh(core_axis_name="c", subcore_axis_name="s")

@functools.partial(
    pl.kernel,
    mesh=_mesh,
    compiler_params=pltpu.CompilerParams(use_tc_tiling_on_sc=False),
    out_type=jax.ShapeDtypeStruct((_B, _EMBED), jnp.float32),
    scratch_types=[
        pltpu.VMEM((_IPW,), jnp.int32),
        pltpu.VMEM((_IPW,), jnp.int32),
        pltpu.VMEM((2 * _CH, _EMBED), jnp.float32),
        pltpu.VMEM((2 * _CH, _EMBED), jnp.float32),
        pltpu.VMEM((2 * _CH, _EMBED), jnp.float32),
        pltpu.VMEM((2 * _CH, _EMBED), jnp.float32),
        pltpu.VMEM((_RPW, _EMBED), jnp.float32),
        pltpu.VMEM_SHARED((16 * 2 * _RPW, _EMBED), jnp.float32),
        pltpu.SemaphoreType.DMA,
        pltpu.SemaphoreType.DMA,
        pltpu.SemaphoreType.DMA,
        pltpu.SemaphoreType.DMA,
        pltpu.SemaphoreType.DMA,
        pltpu.SemaphoreType.DMA,
        pltpu.SemaphoreType.DMA,
        pltpu.SemaphoreType.DMA,
    ],
)
def _sc_pool(x2, table, dst3, pooled, idx_all, dst_all, rows0, rows1, rows2,
             rows3, zero_v, pooled_sh, gsem0, gsem1, gsem2, gsem3, ssem0,
             ssem1, ssem2, ssem3):
    cid = lax.axis_index("c")
    sid = lax.axis_index("s")
    wid = sid * 2 + cid

    z = jnp.zeros((16,), jnp.float32)

    def zero_row(r, carry):
        zero_v[r, pl.ds(0, 16)] = z
        zero_v[r, pl.ds(16, 16)] = z
        return carry

    lax.fori_loop(0, _RPW, zero_row, 0)
    pltpu.sync_copy(zero_v, pooled_sh.at[pl.ds(sid * 2 * _RPW, _RPW)])
    pltpu.sync_copy(zero_v, pooled_sh.at[pl.ds(sid * 2 * _RPW + _RPW, _RPW)])

    pltpu.sync_copy(x2.at[pl.ds(wid * _IPW, _IPW)], idx_all)
    pltpu.sync_copy(dst3.at[sid], dst_all)

    rows = (rows0, rows1, rows2, rows3)
    gsem = (gsem0, gsem1, gsem2, gsem3)
    ssem = (ssem0, ssem1, ssem2, ssem3)

    def gidx(c):
        return idx_all.at[pl.ds(c * 2 * _CH, 2 * _CH)]

    def didx(c):
        return dst_all.at[pl.ds(c * 2 * _CH, 2 * _CH)]

    for j in range(3):
        pltpu.async_copy(table.at[gidx(j)], rows[j], gsem[j])

    def outer(cc, carry):
        for j in range(4):
            c = cc * 4 + j
            bp = (j - 1) % 4

            def drain():
                pltpu.make_async_copy(
                    rows[bp], pooled_sh.at[didx(c)], ssem[bp]).wait()

            def prefetch():
                pltpu.async_copy(table.at[gidx(c + 3)], rows[bp], gsem[bp])

            if j == 0:
                prefetch()
            else:
                if j >= 2:
                    pl.when(cc < (_NSUP - 1) // 4 - 1)(prefetch)
                else:
                    prefetch()
            pltpu.make_async_copy(table.at[gidx(c)], rows[j], gsem[j]).wait()
            pltpu.sync_copy(rows[j], pooled_sh.at[didx(c)], add=True)
        return carry

    lax.fori_loop(0, (_NSUP - 1) // 4, outer, 0)

    pltpu.make_async_copy(table.at[gidx(_NSUP - 1)], rows[0], gsem[0]).wait()
    pltpu.sync_copy(rows[0], pooled_sh.at[didx(_NSUP - 1)], add=True)

    pltpu.sync_copy(zero_v, pooled_sh.at[dst_all.at[pl.ds(0, _RPW)]],
                    add=True)

    pltpu.sync_copy(pooled_sh.at[pl.ds(sid * 2 * _RPW, 2 * _RPW)], rows0)

    def merge_row(r, carry):
        zero_v[r, pl.ds(0, 16)] = (
            rows0[r, pl.ds(0, 16)] + rows0[_RPW + r, pl.ds(0, 16)])
        zero_v[r, pl.ds(16, 16)] = (
            rows0[r, pl.ds(16, 16)] + rows0[_RPW + r, pl.ds(16, 16)])
        return carry

    lax.fori_loop(0, _RPW, merge_row, 0)
    pltpu.sync_copy(zero_v, pooled.at[pl.ds(wid * _RPW, _RPW)])


def _lin_body(p_ref, w_ref, b_ref, o_ref):
    o_ref[...] = (
        jnp.dot(p_ref[...], w_ref[...], preferred_element_type=jnp.float32)
        + b_ref[...]
    )


def _linear(pooled, wt, b2):
    blk = 2048
    return pl.pallas_call(
        _lin_body,
        grid=(_B // blk,),
        in_specs=[
            pl.BlockSpec((blk, _EMBED), lambda i: (i, 0)),
            pl.BlockSpec((_EMBED, _OUT), lambda i: (0, 0)),
            pl.BlockSpec((1, _OUT), lambda i: (0, 0)),
        ],
        out_specs=pl.BlockSpec((blk, _OUT), lambda i: (i, 0)),
        out_shape=jax.ShapeDtypeStruct((_B, _OUT), jnp.float32),
    )(pooled, wt, b2)


def kernel(x, table, W, b):
    t4 = jnp.pad(table, ((0, 0), (0, 128 - _EMBED))).reshape(4 * _VOCAB,
                                                             _EMBED)
    x2 = (x * 4).reshape(-1)
    pooled = _sc_pool(x2, t4, _DST3.reshape(16, _IPW))
    return _linear(pooled, W.T, b.reshape(1, _OUT))

# --- scband reference (transcript-rebuilt; emitter-appended) ---
"""Pipeline reference for scband-keyword-category-model-52364241273577 (READ-ONLY COPY).

The authoritative reference and input builder live on the scoring server;
editing this copy changes nothing except your own understanding.
"""

import jax, jax.numpy as jnp
import numpy as np

VOCAB = 100000
EMBED = 32
OUT = 128
PAD = 0
B = 4096
L = 50


def setup_inputs(seed: int = 0) -> dict:
    key = jax.random.key(seed)
    k1, k2, k3, k4 = jax.random.split(key, 4)
    x = jax.random.randint(k1, (B, L), 0, VOCAB, dtype=jnp.int64 if jax.config.jax_enable_x64 else jnp.int32).astype(jnp.int32)
    table = jax.random.normal(k2, (VOCAB, EMBED), dtype=jnp.float32)
    table = table.at[PAD].set(0.0)  # padding_idx row is zero like nn.Embedding
    # nn.Linear init: U(-1/sqrt(in), 1/sqrt(in))
    bound = 1.0 / np.sqrt(EMBED)
    W = jax.random.uniform(k3, (OUT, EMBED), dtype=jnp.float32, minval=-bound, maxval=bound)
    b = jax.random.uniform(k4, (OUT,), dtype=jnp.float32, minval=-bound, maxval=bound)
    return {"x": x, "table": table, "W": W, "b": b}


def reference(x, table, W, b):
    emb = jnp.take(table, x, axis=0)          # [B, L, EMBED] gather
    pooled = jnp.sum(emb, axis=1)             # [B, EMBED]
    out = pooled @ W.T + b                    # [B, OUT]
    return out

if __name__ == "__main__":
    import jax
    _d = setup_inputs()
    print(jax.jit(kernel)(*tuple(_d.values())))

</pallas_src>

<mosaic_0001>
#map = affine_map<(d0, d1) -> (0)>
#map1 = affine_map<(d0, d1) -> (0, 0)>
module attributes {stable_mosaic.version = 14 : i64} {
  func.func @_sc_pool(%arg0: i32, %arg1: i32, %arg2: memref<204800xi32, #tpu.memory_space<hbm>>, %arg3: memref<400000x32xf32, #tpu.memory_space<hbm>>, %arg4: memref<16x6400xi32, #tpu.memory_space<hbm>>, %arg5: memref<4096x32xf32, #tpu.memory_space<hbm>>, %arg6: memref<6400xi32, #tpu.memory_space<vmem>>, %arg7: memref<6400xi32, #tpu.memory_space<vmem>>, %arg8: memref<256x32xf32, #tpu.memory_space<vmem>>, %arg9: memref<256x32xf32, #tpu.memory_space<vmem>>, %arg10: memref<256x32xf32, #tpu.memory_space<vmem>>, %arg11: memref<256x32xf32, #tpu.memory_space<vmem>>, %arg12: memref<128x32xf32, #tpu.memory_space<vmem>>, %arg13: memref<4096x32xf32, #tpu.memory_space<vmem_shared>>, %arg14: memref<!tpu.dma_semaphore, #tpu.memory_space<semaphore_mem>>, %arg15: memref<!tpu.dma_semaphore, #tpu.memory_space<semaphore_mem>>, %arg16: memref<!tpu.dma_semaphore, #tpu.memory_space<semaphore_mem>>, %arg17: memref<!tpu.dma_semaphore, #tpu.memory_space<semaphore_mem>>, %arg18: memref<!tpu.dma_semaphore, #tpu.memory_space<semaphore_mem>>, %arg19: memref<!tpu.dma_semaphore, #tpu.memory_space<semaphore_mem>>, %arg20: memref<!tpu.dma_semaphore, #tpu.memory_space<semaphore_mem>>, %arg21: memref<!tpu.dma_semaphore, #tpu.memory_space<semaphore_mem>>) attributes {dimension_semantics = [#tpu.dimension_semantics<core_parallel>, #tpu.dimension_semantics<subcore_parallel>], iteration_bounds = array<i64: 2, 16>, scalar_prefetch = 0 : i64, scratch_operands = 16 : i64, tpu.core_type = #tpu.core_type<sc_vector_subcore>, window_params = [{transform_indices = #map}, {transform_indices = #map1}, {transform_indices = #map1}, {transform_indices = #map1}]} {
    %mul3A = arith.constant 2 : i32
    %mul3A_0 = arith.muli %arg1, %mul3A : i32
    %add3A = arith.addi %mul3A_0, %arg0 : i32
    %broadcast_in_dim3A = arith.constant 0.000000e+00 : f32
    %broadcast_in_dim3A_1 = vector.broadcast %broadcast_in_dim3A : f32 to vector<16xf32>
    %scan3A = arith.constant 0 : i32
    %scan3A_2 = arith.constant 0 : i32
    %scan3A_3 = arith.constant 128 : i32
    %scan3A_4 = arith.addi %scan3A_2, %scan3A_3 : i32
    %scan3A_5 = arith.constant 1 : i32
    scf.for %scan3A_55 = %scan3A_2 to %scan3A_4 step %scan3A_5  : i32 {
      %swap3A = arith.index_cast %scan3A_55 : i32 to index
      %swap3A_56 = arith.constant 0 : index
      %swap3A_57 = tpu.vector_load %arg12[%swap3A, %swap3A_56] {strides = array<i32>} : memref<128x32xf32, #tpu.memory_space<vmem>>, vector<1x16xf32>,
      %swap3A_58 = vector.shape_cast %swap3A_57 : vector<1x16xf32> to vector<16xf32>
      %swap3A_59 = vector.shape_cast %broadcast_in_dim3A_1 : vector<16xf32> to vector<1x16xf32>
      tpu.vector_store %arg12[%swap3A, %swap3A_56], %swap3A_59 {strides = array<i32>} : memref<128x32xf32, #tpu.memory_space<vmem>>, vector<1x16xf32>,
      %swap3A_60 = arith.index_cast %scan3A_55 : i32 to index
      %swap3A_61 = arith.constant 16 : index
      %swap3A_62 = tpu.vector_load %arg12[%swap3A_60, %swap3A_61] {strides = array<i32>} : memref<128x32xf32, #tpu.memory_space<vmem>>, vector<1x16xf32>,
      %swap3A_63 = vector.shape_cast %swap3A_62 : vector<1x16xf32> to vector<16xf32>
      %swap3A_64 = vector.shape_cast %broadcast_in_dim3A_1 : vector<16xf32> to vector<1x16xf32>
      tpu.vector_store %arg12[%swap3A_60, %swap3A_61], %swap3A_64 {strides = array<i32>} : memref<128x32xf32, #tpu.memory_space<vmem>>, vector<1x16xf32>,
    }
    %scan3A_6 = arith.constant 128 : i32
    %mul3A_7 = arith.constant 2 : i32
    %mul3A_8 = arith.muli %arg1, %mul3A_7 : i32
    %mul3A_9 = arith.constant 128 : i32
    %mul3A_10 = arith.muli %mul3A_8, %mul3A_9 : i32
    "tpu.region"() ({
      %run_scoped3A = tpu.sem_alloc : memref<!tpu.dma_semaphore, #tpu.memory_space<semaphore_mem>>
      %dma_start3A_55 = arith.constant 0 : i32
      %dma_start3A_56 = tpu.memref_slice %arg13[%mul3A_10, %dma_start3A_55] : memref<4096x32xf32, #tpu.memory_space<vmem_shared>> -> memref<128x32xf32, #tpu.memory_space<vmem_shared>>
      %dma_start3A_57 = arith.constant 0 : i32
      %dma_start3A_58 = tpu.memref_slice %arg13[%mul3A_10, %dma_start3A_57] : memref<4096x32xf32, #tpu.memory_space<vmem_shared>> -> memref<128x32xf32, #tpu.memory_space<vmem_shared>>
      tpu.enqueue_dma source(%arg12 : memref<128x32xf32, #tpu.memory_space<vmem>>) target(%dma_start3A_58 : memref<128x32xf32, #tpu.memory_space<vmem_shared>>) target_semaphore(%run_scoped3A : memref<!tpu.dma_semaphore, #tpu.memory_space<semaphore_mem>>)
      %dma_wait3A_59 = arith.constant 0 : i32
      %dma_wait3A_60 = tpu.memref_slice %arg13[%mul3A_10, %dma_wait3A_59] : memref<4096x32xf32, #tpu.memory_space<vmem_shared>> -> memref<128x32xf32, #tpu.memory_space<vmem_shared>>
      %dma_wait3A_61 = arith.constant 0 : i32
      %dma_wait3A_62 = tpu.memref_slice %arg13[%mul3A_10, %dma_wait3A_61] : memref<4096x32xf32, #tpu.memory_space<vmem_shared>> -> memref<128x32xf32, #tpu.memory_space<vmem_shared>>
      tpu.wait_dma2 semaphore(%run_scoped3A : memref<!tpu.dma_semaphore, #tpu.memory_space<semaphore_mem>>) src(%arg12 : memref<128x32xf32, #tpu.memory_space<vmem>>) dst(%dma_wait3A_62 : memref<128x32xf32, #tpu.memory_space<vmem_shared>>)
      tpu.yield
    }) : () -> ()
    %mul3A_11 = arith.constant 2 : i32
    %mul3A_12 = arith.muli %arg1, %mul3A_11 : i32
    %mul3A_13 = arith.constant 128 : i32
    %mul3A_14 = arith.muli %mul3A_12, %mul3A_13 : i32
    %add3A_15 = arith.constant 128 : i32
    %add3A_16 = arith.addi %mul3A_14, %add3A_15 : i32
    "tpu.region"() ({
      %run_scoped3A = tpu.sem_alloc : memref<!tpu.dma_semaphore, #tpu.memory_space<semaphore_mem>>
      %dma_start3A_55 = arith.constant 0 : i32
      %dma_start3A_56 = tpu.memref_slice %arg13[%add3A_16, %dma_start3A_55] : memref<4096x32xf32, #tpu.memory_space<vmem_shared>> -> memref<128x32xf32, #tpu.memory_space<vmem_shared>>
      %dma_start3A_57 = arith.constant 0 : i32
      %dma_start3A_58 = tpu.memref_slice %arg13[%add3A_16, %dma_start3A_57] : memref<4096x32xf32, #tpu.memory_space<vmem_shared>> -> memref<128x32xf32, #tpu.memory_space<vmem_shared>>
      tpu.enqueue_dma source(%arg12 : memref<128x32xf32, #tpu.memory_space<vmem>>) target(%dma_start3A_58 : memref<128x32xf32, #tpu.memory_space<vmem_shared>>) target_semaphore(%run_scoped3A : memref<!tpu.dma_semaphore, #tpu.memory_space<semaphore_mem>>)
      %dma_wait3A_59 = arith.constant 0 : i32
      %dma_wait3A_60 = tpu.memref_slice %arg13[%add3A_16, %dma_wait3A_59] : memref<4096x32xf32, #tpu.memory_space<vmem_shared>> -> memref<128x32xf32, #tpu.memory_space<vmem_shared>>
      %dma_wait3A_61 = arith.constant 0 : i32
      %dma_wait3A_62 = tpu.memref_slice %arg13[%add3A_16, %dma_wait3A_61] : memref<4096x32xf32, #tpu.memory_space<vmem_shared>> -> memref<128x32xf32, #tpu.memory_space<vmem_shared>>
      tpu.wait_dma2 semaphore(%run_scoped3A : memref<!tpu.dma_semaphore, #tpu.memory_space<semaphore_mem>>) src(%arg12 : memref<128x32xf32, #tpu.memory_space<vmem>>) dst(%dma_wait3A_62 : memref<128x32xf32, #tpu.memory_space<vmem_shared>>)
      tpu.yield
    }) : () -> ()
    %mul3A_17 = arith.constant 6400 : i32
    %mul3A_18 = arith.muli %add3A, %mul3A_17 : i32
    "tpu.region"() ({
      %run_scoped3A = tpu.sem_alloc : memref<!tpu.dma_semaphore, #tpu.memory_space<semaphore_mem>>
      %dma_start3A_55 = tpu.memref_slice %arg2[%mul3A_18] : memref<204800xi32, #tpu.memory_space<hbm>> -> memref<6400xi32, #tpu.memory_space<hbm>>
      %dma_start3A_56 = tpu.memref_slice %arg2[%mul3A_18] : memref<204800xi32, #tpu.memory_space<hbm>> -> memref<6400xi32, #tpu.memory_space<hbm>>
      tpu.enqueue_dma source(%dma_start3A_56 : memref<6400xi32, #tpu.memory_space<hbm>>) target(%arg6 : memref<6400xi32, #tpu.memory_space<vmem>>) target_semaphore(%run_scoped3A : memref<!tpu.dma_semaphore, #tpu.memory_space<semaphore_mem>>)
      %dma_wait3A_57 = tpu.memref_slice %arg2[%mul3A_18] : memref<204800xi32, #tpu.memory_space<hbm>> -> memref<6400xi32, #tpu.memory_space<hbm>>
      %dma_wait3A_58 = tpu.memref_slice %arg2[%mul3A_18] : memref<204800xi32, #tpu.memory_space<hbm>> -> memref<6400xi32, #tpu.memory_space<hbm>>
      tpu.wait_dma2 semaphore(%run_scoped3A : memref<!tpu.dma_semaphore, #tpu.memory_space<semaphore_mem>>) src(%dma_wait3A_58 : memref<6400xi32, #tpu.memory_space<hbm>>) dst(%arg6 : memref<6400xi32, #tpu.memory_space<vmem>>)
      tpu.yield
    }) : () -> ()
    "tpu.region"() ({
      %run_scoped3A = tpu.sem_alloc : memref<!tpu.dma_semaphore, #tpu.memory_space<semaphore_mem>>
      %dma_start3A_55 = arith.constant 0 : i32
      %dma_start3A_56 = tpu.memref_slice %arg4[%arg1, %dma_start3A_55] : memref<16x6400xi32, #tpu.memory_space<hbm>> -> memref<1x6400xi32, #tpu.memory_space<hbm>>
      %dma_start3A_57 = tpu.memref_squeeze %dma_start3A_56 : memref<1x6400xi32, #tpu.memory_space<hbm>> -> memref<6400xi32, #tpu.memory_space<hbm>>
      %dma_start3A_58 = arith.constant 0 : i32
      %dma_start3A_59 = tpu.memref_slice %arg4[%arg1, %dma_start3A_58] : memref<16x6400xi32, #tpu.memory_space<hbm>> -> memref<1x6400xi32, #tpu.memory_space<hbm>>
      %dma_start3A_60 = tpu.memref_squeeze %dma_start3A_59 : memref<1x6400xi32, #tpu.memory_space<hbm>> -> memref<6400xi32, #tpu.memory_space<hbm>>
      tpu.enqueue_dma source(%dma_start3A_60 : memref<6400xi32, #tpu.memory_space<hbm>>) target(%arg7 : memref<6400xi32, #tpu.memory_space<vmem>>) target_semaphore(%run_scoped3A : memref<!tpu.dma_semaphore, #tpu.memory_space<semaphore_mem>>)
      %dma_wait3A_61 = arith.constant 0 : i32
      %dma_wait3A_62 = tpu.memref_slice %arg4[%arg1, %dma_wait3A_61] : memref<16x6400xi32, #tpu.memory_space<hbm>> -> memref<1x6400xi32, #tpu.memory_space<hbm>>
      %dma_wait3A_63 = tpu.memref_squeeze %dma_wait3A_62 : memref<1x6400xi32, #tpu.memory_space<hbm>> -> memref<6400xi32, #tpu.memory_space<hbm>>
      %dma_wait3A_64 = arith.constant 0 : i32
      %dma_wait3A_65 = tpu.memref_slice %arg4[%arg1, %dma_wait3A_64] : memref<16x6400xi32, #tpu.memory_space<hbm>> -> memref<1x6400xi32, #tpu.memory_space<hbm>>
      %dma_wait3A_66 = tpu.memref_squeeze %dma_wait3A_65 : memref<1x6400xi32, #tpu.memory_space<hbm>> -> memref<6400xi32, #tpu.memory_space<hbm>>
      tpu.wait_dma2 semaphore(%run_scoped3A : memref<!tpu.dma_semaphore, #tpu.memory_space<semaphore_mem>>) src(%dma_wait3A_66 : memref<6400xi32, #tpu.memory_space<hbm>>) dst(%arg7 : memref<6400xi32, #tpu.memory_space<vmem>>)
      tpu.yield
    }) : () -> ()
    %dma_start3A = arith.constant 0 : i32
    %dma_start3A_19 = tpu.memref_slice %arg6[%dma_start3A] : memref<6400xi32, #tpu.memory_space<vmem>> -> memref<256xi32, #tpu.memory_space<vmem>>
    %dma_start3A_20 = arith.constant 0 : i32
    %dma_start3A_21 = arith.constant 0 : i32
    %dma_start3A_22 = tpu.memref_slice %arg3[%dma_start3A_20, %dma_start3A_21] : memref<400000x32xf32, #tpu.memory_space<hbm>> -> memref<400000x32xf32, #tpu.memory_space<hbm>>
    tpu.enqueue_indirect_dma source(%dma_start3A_22 : memref<400000x32xf32, #tpu.memory_space<hbm>>) target(%arg8 : memref<256x32xf32, #tpu.memory_space<vmem>>) offsets(%dma_start3A_19 : memref<256xi32, #tpu.memory_space<vmem>>) semaphore(%arg14 : memref<!tpu.dma_semaphore, #tpu.memory_space<semaphore_mem>>)
    %dma_start3A_23 = arith.constant 256 : i32
    %dma_start3A_24 = tpu.memref_slice %arg6[%dma_start3A_23] : memref<6400xi32, #tpu.memory_space<vmem>> -> memref<256xi32, #tpu.memory_space<vmem>>
    %dma_start3A_25 = arith.constant 0 : i32
    %dma_start3A_26 = arith.constant 0 : i32
    %dma_start3A_27 = tpu.memref_slice %arg3[%dma_start3A_25, %dma_start3A_26] : memref<400000x32xf32, #tpu.memory_space<hbm>> -> memref<400000x32xf32, #tpu.memory_space<hbm>>
    tpu.enqueue_indirect_dma source(%dma_start3A_27 : memref<400000x32xf32, #tpu.memory_space<hbm>>) target(%arg9 : memref<256x32xf32, #tpu.memory_space<vmem>>) offsets(%dma_start3A_24 : memref<256xi32, #tpu.memory_space<vmem>>) semaphore(%arg15 : memref<!tpu.dma_semaphore, #tpu.memory_space<semaphore_mem>>)
    %dma_start3A_28 = arith.constant 512 : i32
    %dma_start3A_29 = tpu.memref_slice %arg6[%dma_start3A_28] : memref<6400xi32, #tpu.memory_space<vmem>> -> memref<256xi32, #tpu.memory_space<vmem>>
    %dma_start3A_30 = arith.constant 0 : i32
    %dma_start3A_31 = arith.constant 0 : i32
    %dma_start3A_32 = tpu.memref_slice %arg3[%dma_start3A_30, %dma_start3A_31] : memref<400000x32xf32, #tpu.memory_space<hbm>> -> memref<400000x32xf32, #tpu.memory_space<hbm>>
    tpu.enqueue_indirect_dma source(%dma_start3A_32 : memref<400000x32xf32, #tpu.memory_space<hbm>>) target(%arg10 : memref<256x32xf32, #tpu.memory_space<vmem>>) offsets(%dma_start3A_29 : memref<256xi32, #tpu.memory_space<vmem>>) semaphore(%arg16 : memref<!tpu.dma_semaphore, #tpu.memory_space<semaphore_mem>>)
    %scan3A_33 = arith.constant 0 : i32
    %scan3A_34 = arith.constant 0 : i32
    %scan3A_35 = arith.constant 6 : i32
    %scan3A_36 = arith.addi %scan3A_34, %scan3A_35 : i32
    %scan3A_37 = arith.constant 1 : i32
    scf.for %scan3A_55 = %scan3A_34 to %scan3A_36 step %scan3A_37  : i32 {
      %mul3A_56 = arith.constant 4 : i32
      %mul3A_57 = arith.muli %scan3A_55, %mul3A_56 : i32
      %add3A_58 = arith.constant 0 : i32
      %add3A_59 = arith.addi %mul3A_57, %add3A_58 : i32
      %add3A_60 = arith.constant 3 : i32
      %add3A_61 = arith.addi %add3A_59, %add3A_60 : i32
      %mul3A_62 = arith.constant 2 : i32
      %mul3A_63 = arith.muli %add3A_61, %mul3A_62 : i32
      %mul3A_64 = arith.constant 128 : i32
      %mul3A_65 = arith.muli %mul3A_63, %mul3A_64 : i32
      %dma_start3A_66 = tpu.memref_slice %arg6[%mul3A_65] : memref<6400xi32, #tpu.memory_space<vmem>> -> memref<256xi32, #tpu.memory_space<vmem>>
      %dma_start3A_67 = arith.constant 0 : i32
      %dma_start3A_68 = arith.constant 0 : i32
      %dma_start3A_69 = tpu.memref_slice %arg3[%dma_start3A_67, %dma_start3A_68] : memref<400000x32xf32, #tpu.memory_space<hbm>> -> memref<400000x32xf32, #tpu.memory_space<hbm>>
      tpu.enqueue_indirect_dma source(%dma_start3A_69 : memref<400000x32xf32, #tpu.memory_space<hbm>>) target(%arg11 : memref<256x32xf32, #tpu.memory_space<vmem>>) offsets(%dma_start3A_66 : memref<256xi32, #tpu.memory_space<vmem>>) semaphore(%arg17 : memref<!tpu.dma_semaphore, #tpu.memory_space<semaphore_mem>>)
      %mul3A_70 = arith.constant 2 : i32
      %mul3A_71 = arith.muli %add3A_59, %mul3A_70 : i32
      %mul3A_72 = arith.constant 128 : i32
      %mul3A_73 = arith.muli %mul3A_71, %mul3A_72 : i32
      %dma_wait3A_74 = tpu.memref_slice %arg6[%mul3A_73] : memref<6400xi32, #tpu.memory_space<vmem>> -> memref<256xi32, #tpu.memory_space<vmem>>
      %dma_wait3A_75 = arith.constant 0 : i32
      %dma_wait3A_76 = arith.constant 0 : i32
      %dma_wait3A_77 = tpu.memref_slice %arg3[%dma_wait3A_75, %dma_wait3A_76] : memref<400000x32xf32, #tpu.memory_space<hbm>> -> memref<400000x32xf32, #tpu.memory_space<hbm>>
      tpu.wait_indirect_dma semaphore(%arg14 : memref<!tpu.dma_semaphore, #tpu.memory_space<semaphore_mem>>) src(%dma_wait3A_77 : memref<400000x32xf32, #tpu.memory_space<hbm>>) dst(%arg8 : memref<256x32xf32, #tpu.memory_space<vmem>>)
      %mul3A_78 = arith.constant 2 : i32
      %mul3A_79 = arith.muli %add3A_59, %mul3A_78 : i32
      %mul3A_80 = arith.constant 128 : i32
      %mul3A_81 = arith.muli %mul3A_79, %mul3A_80 : i32
      "tpu.region"() ({
        %run_scoped3A = tpu.sem_alloc : memref<!tpu.dma_semaphore, #tpu.memory_space<semaphore_mem>>
        %dma_start3A_147 = tpu.memref_slice %arg7[%mul3A_81] : memref<6400xi32, #tpu.memory_space<vmem>> -> memref<256xi32, #tpu.memory_space<vmem>>
        %dma_start3A_148 = arith.constant 0 : i32
        %dma_start3A_149 = arith.constant 0 : i32
        %dma_start3A_150 = tpu.memref_slice %arg13[%dma_start3A_148, %dma_start3A_149] : memref<4096x32xf32, #tpu.memory_space<vmem_shared>> -> memref<4096x32xf32, #tpu.memory_space<vmem_shared>>
        tpu.enqueue_indirect_dma source(%arg8 : memref<256x32xf32, #tpu.memory_space<vmem>>) target(%dma_start3A_150 : memref<4096x32xf32, #tpu.memory_space<vmem_shared>>) offsets(%dma_start3A_147 : memref<256xi32, #tpu.memory_space<vmem>>) semaphore(%run_scoped3A : memref<!tpu.dma_semaphore, #tpu.memory_space<semaphore_mem>>) {add = true}
        %dma_wait3A_151 = tpu.memref_slice %arg7[%mul3A_81] : memref<6400xi32, #tpu.memory_space<vmem>> -> memref<256xi32, #tpu.memory_space<vmem>>
        %dma_wait3A_152 = arith.constant 0 : i32
        %dma_wait3A_153 = arith.constant 0 : i32
        %dma_wait3A_154 = tpu.memref_slice %arg13[%dma_wait3A_152, %dma_wait3A_153] : memref<4096x32xf32, #tpu.memory_space<vmem_shared>> -> memref<4096x32xf32, #tpu.memory_space<vmem_shared>>
        tpu.wait_indirect_dma semaphore(%run_scoped3A : memref<!tpu.dma_semaphore, #tpu.memory_space<semaphore_mem>>) src(%arg8 : memref<256x32xf32, #tpu.memory_space<vmem>>) dst(%dma_wait3A_154 : memref<4096x32xf32, #tpu.memory_space<vmem_shared>>)
        tpu.yield
      }) : () -> ()
      %mul3A_82 = arith.constant 4 : i32
      %mul3A_83 = arith.muli %scan3A_55, %mul3A_82 : i32
      %add3A_84 = arith.constant 1 : i32
      %add3A_85 = arith.addi %mul3A_83, %add3A_84 : i32
      %add3A_86 = arith.constant 3 : i32
      %add3A_87 = arith.addi %add3A_85, %add3A_86 : i32
      %mul3A_88 = arith.constant 2 : i32
      %mul3A_89 = arith.muli %add3A_87, %mul3A_88 : i32
      %mul3A_90 = arith.constant 128 : i32
      %mul3A_91 = arith.muli %mul3A_89, %mul3A_90 : i32
      %dma_start3A_92 = tpu.memref_slice %arg6[%mul3A_91] : memref<6400xi32, #tpu.memory_space<vmem>> -> memref<256xi32, #tpu.memory_space<vmem>>
      %dma_start3A_93 = arith.constant 0 : i32
      %dma_start3A_94 = arith.constant 0 : i32
      %dma_start3A_95 = tpu.memref_slice %arg3[%dma_start3A_93, %dma_start3A_94] : memref<400000x32xf32, #tpu.memory_space<hbm>> -> memref<400000x32xf32, #tpu.memory_space<hbm>>
      tpu.enqueue_indirect_dma source(%dma_start3A_95 : memref<400000x32xf32, #tpu.memory_space<hbm>>) target(%arg8 : memref<256x32xf32, #tpu.memory_space<vmem>>) offsets(%dma_start3A_92 : memref<256xi32, #tpu.memory_space<vmem>>) semaphore(%arg14 : memref<!tpu.dma_semaphore, #tpu.memory_space<semaphore_mem>>)
      %mul3A_96 = arith.constant 2 : i32
      %mul3A_97 = arith.muli %add3A_85, %mul3A_96 : i32
      %mul3A_98 = arith.constant 128 : i32
      %mul3A_99 = arith.muli %mul3A_97, %mul3A_98 : i32
      %dma_wait3A_100 = tpu.memref_slice %arg6[%mul3A_99] : memref<6400xi32, #tpu.memory_space<vmem>> -> memref<256xi32, #tpu.memory_space<vmem>>
      %dma_wait3A_101 = arith.constant 0 : i32
      %dma_wait3A_102 = arith.constant 0 : i32
      %dma_wait3A_103 = tpu.memref_slice %arg3[%dma_wait3A_101, %dma_wait3A_102] : memref<400000x32xf32, #tpu.memory_space<hbm>> -> memref<400000x32xf32, #tpu.memory_space<hbm>>
      tpu.wait_indirect_dma semaphore(%arg15 : memref<!tpu.dma_semaphore, #tpu.memory_space<semaphore_mem>>) src(%dma_wait3A_103 : memref<400000x32xf32, #tpu.memory_space<hbm>>) dst(%arg9 : memref<256x32xf32, #tpu.memory_space<vmem>>)
      %mul3A_104 = arith.constant 2 : i32
      %mul3A_105 = arith.muli %add3A_85, %mul3A_104 : i32
      %mul3A_106 = arith.constant 128 : i32
      %mul3A_107 = arith.muli %mul3A_105, %mul3A_106 : i32
      "tpu.region"() ({
        %run_scoped3A = tpu.sem_alloc : memref<!tpu.dma_semaphore, #tpu.memory_space<semaphore_mem>>
        %dma_start3A_147 = tpu.memref_slice %arg7[%mul3A_107] : memref<6400xi32, #tpu.memory_space<vmem>> -> memref<256xi32, #tpu.memory_space<vmem>>
        %dma_start3A_148 = arith.constant 0 : i32
        %dma_start3A_149 = arith.constant 0 : i32
        %dma_start3A_150 = tpu.memref_slice %arg13[%dma_start3A_148, %dma_start3A_149] : memref<4096x32xf32, #tpu.memory_space<vmem_shared>> -> memref<4096x32xf32, #tpu.memory_space<vmem_shared>>
        tpu.enqueue_indirect_dma source(%arg9 : memref<256x32xf32, #tpu.memory_space<vmem>>) target(%dma_start3A_150 : memref<4096x32xf32, #tpu.memory_space<vmem_shared>>) offsets(%dma_start3A_147 : memref<256xi32, #tpu.memory_space<vmem>>) semaphore(%run_scoped3A : memref<!tpu.dma_semaphore, #tpu.memory_space<semaphore_mem>>) {add = true}
        %dma_wait3A_151 = tpu.memref_slice %arg7[%mul3A_107] : memref<6400xi32, #tpu.memory_space<vmem>> -> memref<256xi32, #tpu.memory_space<vmem>>
        %dma_wait3A_152 = arith.constant 0 : i32
        %dma_wait3A_153 = arith.constant 0 : i32
        %dma_wait3A_154 = tpu.memref_slice %arg13[%dma_wait3A_152, %dma_wait3A_153] : memref<4096x32xf32, #tpu.memory_space<vmem_shared>> -> memref<4096x32xf32, #tpu.memory_space<vmem_shared>>
        tpu.wait_indirect_dma semaphore(%run_scoped3A : memref<!tpu.dma_semaphore, #tpu.memory_space<semaphore_mem>>) src(%arg9 : memref<256x32xf32, #tpu.memory_space<vmem>>) dst(%dma_wait3A_154 : memref<4096x32xf32, #tpu.memory_space<vmem_shared>>)
        tpu.yield
      }) : () -> ()
      %mul3A_108 = arith.constant 4 : i32
      %mul3A_109 = arith.muli %scan3A_55, %mul3A_108 : i32
      %add3A_110 = arith.constant 2 : i32
      %add3A_111 = arith.addi %mul3A_109, %add3A_110 : i32
      %lt3A = arith.constant 5 : i32
      %lt3A_112 = arith.cmpi slt, %scan3A_55, %lt3A : i32
      %convert_element_type3A = arith.extui %lt3A_112 : i1 to i32
      %cond3A = arith.constant 0 : i32
      %cond3A_113 = arith.cmpi ne, %convert_element_type3A, %cond3A : i32
      scf.if %cond3A_113 {
        %add3A_147 = arith.constant 3 : i32
        %add3A_148 = arith.addi %add3A_111, %add3A_147 : i32
        %mul3A_149 = arith.constant 2 : i32
        %mul3A_150 = arith.muli %add3A_148, %mul3A_149 : i32
        %mul3A_151 = arith.constant 128 : i32
        %mul3A_152 = arith.muli %mul3A_150, %mul3A_151 : i32
        %dma_start3A_153 = tpu.memref_slice %arg6[%mul3A_152] : memref<6400xi32, #tpu.memory_space<vmem>> -> memref<256xi32, #tpu.memory_space<vmem>>
        %dma_start3A_154 = arith.constant 0 : i32
        %dma_start3A_155 = arith.constant 0 : i32
        %dma_start3A_156 = tpu.memref_slice %arg3[%dma_start3A_154, %dma_start3A_155] : memref<400000x32xf32, #tpu.memory_space<hbm>> -> memref<400000x32xf32, #tpu.memory_space<hbm>>
        tpu.enqueue_indirect_dma source(%dma_start3A_156 : memref<400000x32xf32, #tpu.memory_space<hbm>>) target(%arg9 : memref<256x32xf32, #tpu.memory_space<vmem>>) offsets(%dma_start3A_153 : memref<256xi32, #tpu.memory_space<vmem>>) semaphore(%arg15 : memref<!tpu.dma_semaphore, #tpu.memory_space<semaphore_mem>>)
      } else {
      }
      %mul3A_114 = arith.constant 2 : i32
      %mul3A_115 = arith.muli %add3A_111, %mul3A_114 : i32
      %mul3A_116 = arith.constant 128 : i32
      %mul3A_117 = arith.muli %mul3A_115, %mul3A_116 : i32
      %dma_wait3A_118 = tpu.memref_slice %arg6[%mul3A_117] : memref<6400xi32, #tpu.memory_space<vmem>> -> memref<256xi32, #tpu.memory_space<vmem>>
      %dma_wait3A_119 = arith.constant 0 : i32
      %dma_wait3A_120 = arith.constant 0 : i32
      %dma_wait3A_121 = tpu.memref_slice %arg3[%dma_wait3A_119, %dma_wait3A_120] : memref<400000x32xf32, #tpu.memory_space<hbm>> -> memref<400000x32xf32, #tpu.memory_space<hbm>>
      tpu.wait_indirect_dma semaphore(%arg16 : memref<!tpu.dma_semaphore, #tpu.memory_space<semaphore_mem>>) src(%dma_wait3A_121 : memref<400000x32xf32, #tpu.memory_space<hbm>>) dst(%arg10 : memref<256x32xf32, #tpu.memory_space<vmem>>)
      %mul3A_122 = arith.constant 2 : i32
      %mul3A_123 = arith.muli %add3A_111, %mul3A_122 : i32
      %mul3A_124 = arith.constant 128 : i32
      %mul3A_125 = arith.muli %mul3A_123, %mul3A_124 : i32
      "tpu.region"() ({
        %run_scoped3A = tpu.sem_alloc : memref<!tpu.dma_semaphore, #tpu.memory_space<semaphore_mem>>
        %dma_start3A_147 = tpu.memref_slice %arg7[%mul3A_125] : memref<6400xi32, #tpu.memory_space<vmem>> -> memref<256xi32, #tpu.memory_space<vmem>>
        %dma_start3A_148 = arith.constant 0 : i32
        %dma_start3A_149 = arith.constant 0 : i32
        %dma_start3A_150 = tpu.memref_slice %arg13[%dma_start3A_148, %dma_start3A_149] : memref<4096x32xf32, #tpu.memory_space<vmem_shared>> -> memref<4096x32xf32, #tpu.memory_space<vmem_shared>>
        tpu.enqueue_indirect_dma source(%arg10 : memref<256x32xf32, #tpu.memory_space<vmem>>) target(%dma_start3A_150 : memref<4096x32xf32, #tpu.memory_space<vmem_shared>>) offsets(%dma_start3A_147 : memref<256xi32, #tpu.memory_space<vmem>>) semaphore(%run_scoped3A : memref<!tpu.dma_semaphore, #tpu.memory_space<semaphore_mem>>) {add = true}
        %dma_wait3A_151 = tpu.memref_slice %arg7[%mul3A_125] : memref<6400xi32, #tpu.memory_space<vmem>> -> memref<256xi32, #tpu.memory_space<vmem>>
        %dma_wait3A_152 = arith.constant 0 : i32
        %dma_wait3A_153 = arith.constant 0 : i32
        %dma_wait3A_154 = tpu.memref_slice %arg13[%dma_wait3A_152, %dma_wait3A_153] : memref<4096x32xf32, #tpu.memory_space<vmem_shared>> -> memref<4096x32xf32, #tpu.memory_space<vmem_shared>>
        tpu.wait_indirect_dma semaphore(%run_scoped3A : memref<!tpu.dma_semaphore, #tpu.memory_space<semaphore_mem>>) src(%arg10 : memref<256x32xf32, #tpu.memory_space<vmem>>) dst(%dma_wait3A_154 : memref<4096x32xf32, #tpu.memory_space<vmem_shared>>)
        tpu.yield
      }) : () -> ()
      %mul3A_126 = arith.constant 4 : i32
      %mul3A_127 = arith.muli %scan3A_55, %mul3A_126 : i32
      %add3A_128 = arith.constant 3 : i32
      %add3A_129 = arith.addi %mul3A_127, %add3A_128 : i32
      %lt3A_130 = arith.constant 5 : i32
      %lt3A_131 = arith.cmpi slt, %scan3A_55, %lt3A_130 : i32
      %convert_element_type3A_132 = arith.extui %lt3A_131 : i1 to i32
      %cond3A_133 = arith.constant 0 : i32
      %cond3A_134 = arith.cmpi ne, %convert_element_type3A_132, %cond3A_133 : i32
      scf.if %cond3A_134 {
        %add3A_147 = arith.constant 3 : i32
        %add3A_148 = arith.addi %add3A_129, %add3A_147 : i32
        %mul3A_149 = arith.constant 2 : i32
        %mul3A_150 = arith.muli %add3A_148, %mul3A_149 : i32
        %mul3A_151 = arith.constant 128 : i32
        %mul3A_152 = arith.muli %mul3A_150, %mul3A_151 : i32
        %dma_start3A_153 = tpu.memref_slice %arg6[%mul3A_152] : memref<6400xi32, #tpu.memory_space<vmem>> -> memref<256xi32, #tpu.memory_space<vmem>>
        %dma_start3A_154 = arith.constant 0 : i32
        %dma_start3A_155 = arith.constant 0 : i32
        %dma_start3A_156 = tpu.memref_slice %arg3[%dma_start3A_154, %dma_start3A_155] : memref<400000x32xf32, #tpu.memory_space<hbm>> -> memref<400000x32xf32, #tpu.memory_space<hbm>>
        tpu.enqueue_indirect_dma source(%dma_start3A_156 : memref<400000x32xf32, #tpu.memory_space<hbm>>) target(%arg10 : memref<256x32xf32, #tpu.memory_space<vmem>>) offsets(%dma_start3A_153 : memref<256xi32, #tpu.memory_space<vmem>>) semaphore(%arg16 : memref<!tpu.dma_semaphore, #tpu.memory_space<semaphore_mem>>)
      } else {
      }
      %mul3A_135 = arith.constant 2 : i32
      %mul3A_136 = arith.muli %add3A_129, %mul3A_135 : i32
      %mul3A_137 = arith.constant 128 : i32
      %mul3A_138 = arith.muli %mul3A_136, %mul3A_137 : i32
      %dma_wait3A_139 = tpu.memref_slice %arg6[%mul3A_138] : memref<6400xi32, #tpu.memory_space<vmem>> -> memref<256xi32, #tpu.memory_space<vmem>>
      %dma_wait3A_140 = arith.constant 0 : i32
      %dma_wait3A_141 = arith.constant 0 : i32
      %dma_wait3A_142 = tpu.memref_slice %arg3[%dma_wait3A_140, %dma_wait3A_141] : memref<400000x32xf32, #tpu.memory_space<hbm>> -> memref<400000x32xf32, #tpu.memory_space<hbm>>
      tpu.wait_indirect_dma semaphore(%arg17 : memref<!tpu.dma_semaphore, #tpu.memory_space<semaphore_mem>>) src(%dma_wait3A_142 : memref<400000x32xf32, #tpu.memory_space<hbm>>) dst(%arg11 : memref<256x32xf32, #tpu.memory_space<vmem>>)
      %mul3A_143 = arith.constant 2 : i32
      %mul3A_144 = arith.muli %add3A_129, %mul3A_143 : i32
      %mul3A_145 = arith.constant 128 : i32
      %mul3A_146 = arith.muli %mul3A_144, %mul3A_145 : i32
      "tpu.region"() ({
        %run_scoped3A = tpu.sem_alloc : memref<!tpu.dma_semaphore, #tpu.memory_space<semaphore_mem>>
        %dma_start3A_147 = tpu.memref_slice %arg7[%mul3A_146] : memref<6400xi32, #tpu.memory_space<vmem>> -> memref<256xi32, #tpu.memory_space<vmem>>
        %dma_start3A_148 = arith.constant 0 : i32
        %dma_start3A_149 = arith.constant 0 : i32
        %dma_start3A_150 = tpu.memref_slice %arg13[%dma_start3A_148, %dma_start3A_149] : memref<4096x32xf32, #tpu.memory_space<vmem_shared>> -> memref<4096x32xf32, #tpu.memory_space<vmem_shared>>
        tpu.enqueue_indirect_dma source(%arg11 : memref<256x32xf32, #tpu.memory_space<vmem>>) target(%dma_start3A_150 : memref<4096x32xf32, #tpu.memory_space<vmem_shared>>) offsets(%dma_start3A_147 : memref<256xi32, #tpu.memory_space<vmem>>) semaphore(%run_scoped3A : memref<!tpu.dma_semaphore, #tpu.memory_space<semaphore_mem>>) {add = true}
        %dma_wait3A_151 = tpu.memref_slice %arg7[%mul3A_146] : memref<6400xi32, #tpu.memory_space<vmem>> -> memref<256xi32, #tpu.memory_space<vmem>>
        %dma_wait3A_152 = arith.constant 0 : i32
        %dma_wait3A_153 = arith.constant 0 : i32
        %dma_wait3A_154 = tpu.memref_slice %arg13[%dma_wait3A_152, %dma_wait3A_153] : memref<4096x32xf32, #tpu.memory_space<vmem_shared>> -> memref<4096x32xf32, #tpu.memory_space<vmem_shared>>
        tpu.wait_indirect_dma semaphore(%run_scoped3A : memref<!tpu.dma_semaphore, #tpu.memory_space<semaphore_mem>>) src(%arg11 : memref<256x32xf32, #tpu.memory_space<vmem>>) dst(%dma_wait3A_154 : memref<4096x32xf32, #tpu.memory_space<vmem_shared>>)
        tpu.yield
      }) : () -> ()
    }
    %scan3A_38 = arith.constant 6 : i32
    %dma_wait3A = arith.constant 6144 : i32
    %dma_wait3A_39 = tpu.memref_slice %arg6[%dma_wait3A] : memref<6400xi32, #tpu.memory_space<vmem>> -> memref<256xi32, #tpu.memory_space<vmem>>
    %dma_wait3A_40 = arith.constant 0 : i32
    %dma_wait3A_41 = arith.constant 0 : i32
    %dma_wait3A_42 = tpu.memref_slice %arg3[%dma_wait3A_40, %dma_wait3A_41] : memref<400000x32xf32, #tpu.memory_space<hbm>> -> memref<400000x32xf32, #tpu.memory_space<hbm>>
    tpu.wait_indirect_dma semaphore(%arg14 : memref<!tpu.dma_semaphore, #tpu.memory_space<semaphore_mem>>) src(%dma_wait3A_42 : memref<400000x32xf32, #tpu.memory_space<hbm>>) dst(%arg8 : memref<256x32xf32, #tpu.memory_space<vmem>>)
    "tpu.region"() ({
      %run_scoped3A = tpu.sem_alloc : memref<!tpu.dma_semaphore, #tpu.memory_space<semaphore_mem>>
      %dma_start3A_55 = arith.constant 6144 : i32
      %dma_start3A_56 = tpu.memref_slice %arg7[%dma_start3A_55] : memref<6400xi32, #tpu.memory_space<vmem>> -> memref<256xi32, #tpu.memory_space<vmem>>
      %dma_start3A_57 = arith.constant 0 : i32
      %dma_start3A_58 = arith.constant 0 : i32
      %dma_start3A_59 = tpu.memref_slice %arg13[%dma_start3A_57, %dma_start3A_58] : memref<4096x32xf32, #tpu.memory_space<vmem_shared>> -> memref<4096x32xf32, #tpu.memory_space<vmem_shared>>
      tpu.enqueue_indirect_dma source(%arg8 : memref<256x32xf32, #tpu.memory_space<vmem>>) target(%dma_start3A_59 : memref<4096x32xf32, #tpu.memory_space<vmem_shared>>) offsets(%dma_start3A_56 : memref<256xi32, #tpu.memory_space<vmem>>) semaphore(%run_scoped3A : memref<!tpu.dma_semaphore, #tpu.memory_space<semaphore_mem>>) {add = true}
      %dma_wait3A_60 = arith.constant 6144 : i32
      %dma_wait3A_61 = tpu.memref_slice %arg7[%dma_wait3A_60] : memref<6400xi32, #tpu.memory_space<vmem>> -> memref<256xi32, #tpu.memory_space<vmem>>
      %dma_wait3A_62 = arith.constant 0 : i32
      %dma_wait3A_63 = arith.constant 0 : i32
      %dma_wait3A_64 = tpu.memref_slice %arg13[%dma_wait3A_62, %dma_wait3A_63] : memref<4096x32xf32, #tpu.memory_space<vmem_shared>> -> memref<4096x32xf32, #tpu.memory_space<vmem_shared>>
      tpu.wait_indirect_dma semaphore(%run_scoped3A : memref<!tpu.dma_semaphore, #tpu.memory_space<semaphore_mem>>) src(%arg8 : memref<256x32xf32, #tpu.memory_space<vmem>>) dst(%dma_wait3A_64 : memref<4096x32xf32, #tpu.memory_space<vmem_shared>>)
      tpu.yield
    }) : () -> ()
    "tpu.region"() ({
      %run_scoped3A = tpu.sem_alloc : memref<!tpu.dma_semaphore, #tpu.memory_space<semaphore_mem>>
      %dma_start3A_55 = arith.constant 0 : i32
      %dma_start3A_56 = tpu.memref_slice %arg7[%dma_start3A_55] : memref<6400xi32, #tpu.memory_space<vmem>> -> memref<128xi32, #tpu.memory_space<vmem>>
      %dma_start3A_57 = arith.constant 0 : i32
      %dma_start3A_58 = arith.constant 0 : i32
      %dma_start3A_59 = tpu.memref_slice %arg13[%dma_start3A_57, %dma_start3A_58] : memref<4096x32xf32, #tpu.memory_space<vmem_shared>> -> memref<4096x32xf32, #tpu.memory_space<vmem_shared>>
      tpu.enqueue_indirect_dma source(%arg12 : memref<128x32xf32, #tpu.memory_space<vmem>>) target(%dma_start3A_59 : memref<4096x32xf32, #tpu.memory_space<vmem_shared>>) offsets(%dma_start3A_56 : memref<128xi32, #tpu.memory_space<vmem>>) semaphore(%run_scoped3A : memref<!tpu.dma_semaphore, #tpu.memory_space<semaphore_mem>>) {add = true}
      %dma_wait3A_60 = arith.constant 0 : i32
      %dma_wait3A_61 = tpu.memref_slice %arg7[%dma_wait3A_60] : memref<6400xi32, #tpu.memory_space<vmem>> -> memref<128xi32, #tpu.memory_space<vmem>>
      %dma_wait3A_62 = arith.constant 0 : i32
      %dma_wait3A_63 = arith.constant 0 : i32
      %dma_wait3A_64 = tpu.memref_slice %arg13[%dma_wait3A_62, %dma_wait3A_63] : memref<4096x32xf32, #tpu.memory_space<vmem_shared>> -> memref<4096x32xf32, #tpu.memory_space<vmem_shared>>
      tpu.wait_indirect_dma semaphore(%run_scoped3A : memref<!tpu.dma_semaphore, #tpu.memory_space<semaphore_mem>>) src(%arg12 : memref<128x32xf32, #tpu.memory_space<vmem>>) dst(%dma_wait3A_64 : memref<4096x32xf32, #tpu.memory_space<vmem_shared>>)
      tpu.yield
    }) : () -> ()
    %mul3A_43 = arith.constant 2 : i32
    %mul3A_44 = arith.muli %arg1, %mul3A_43 : i32
    %mul3A_45 = arith.constant 128 : i32
    %mul3A_46 = arith.muli %mul3A_44, %mul3A_45 : i32
    "tpu.region"() ({
      %run_scoped3A = tpu.sem_alloc : memref<!tpu.dma_semaphore, #tpu.memory_space<semaphore_mem>>
      %dma_start3A_55 = arith.constant 0 : i32
      %dma_start3A_56 = tpu.memref_slice %arg13[%mul3A_46, %dma_start3A_55] : memref<4096x32xf32, #tpu.memory_space<vmem_shared>> -> memref<256x32xf32, #tpu.memory_space<vmem_shared>>
      %dma_start3A_57 = arith.constant 0 : i32
      %dma_start3A_58 = tpu.memref_slice %arg13[%mul3A_46, %dma_start3A_57] : memref<4096x32xf32, #tpu.memory_space<vmem_shared>> -> memref<256x32xf32, #tpu.memory_space<vmem_shared>>
      tpu.enqueue_dma source(%dma_start3A_58 : memref<256x32xf32, #tpu.memory_space<vmem_shared>>) target(%arg8 : memref<256x32xf32, #tpu.memory_space<vmem>>) target_semaphore(%run_scoped3A : memref<!tpu.dma_semaphore, #tpu.memory_space<semaphore_mem>>)
      %dma_wait3A_59 = arith.constant 0 : i32
      %dma_wait3A_60 = tpu.memref_slice %arg13[%mul3A_46, %dma_wait3A_59] : memref<4096x32xf32, #tpu.memory_space<vmem_shared>> -> memref<256x32xf32, #tpu.memory_space<vmem_shared>>
      %dma_wait3A_61 = arith.constant 0 : i32
      %dma_wait3A_62 = tpu.memref_slice %arg13[%mul3A_46, %dma_wait3A_61] : memref<4096x32xf32, #tpu.memory_space<vmem_shared>> -> memref<256x32xf32, #tpu.memory_space<vmem_shared>>
      tpu.wait_dma2 semaphore(%run_scoped3A : memref<!tpu.dma_semaphore, #tpu.memory_space<semaphore_mem>>) src(%dma_wait3A_62 : memref<256x32xf32, #tpu.memory_space<vmem_shared>>) dst(%arg8 : memref<256x32xf32, #tpu.memory_space<vmem>>)
      tpu.yield
    }) : () -> ()
    %scan3A_47 = arith.constant 0 : i32
    %scan3A_48 = arith.constant 0 : i32
    %scan3A_49 = arith.constant 128 : i32
    %scan3A_50 = arith.addi %scan3A_48, %scan3A_49 : i32
    %scan3A_51 = arith.constant 1 : i32
    scf.for %scan3A_55 = %scan3A_48 to %scan3A_50 step %scan3A_51  : i32 {
      %get3A = arith.index_cast %scan3A_55 : i32 to index
      %get3A_56 = arith.constant 0 : index
      %get3A_57 = tpu.vector_load %arg8[%get3A, %get3A_56] {strides = array<i32>} : memref<256x32xf32, #tpu.memory_space<vmem>>, vector<1x16xf32>,
      %get3A_58 = vector.shape_cast %get3A_57 : vector<1x16xf32> to vector<16xf32>
      %add3A_59 = arith.constant 128 : i32
      %add3A_60 = arith.addi %add3A_59, %scan3A_55 : i32
      %get3A_61 = arith.index_cast %add3A_60 : i32 to index
      %get3A_62 = arith.constant 0 : index
      %get3A_63 = tpu.vector_load %arg8[%get3A_61, %get3A_62] {strides = array<i32>} : memref<256x32xf32, #tpu.memory_space<vmem>>, vector<1x16xf32>,
      %get3A_64 = vector.shape_cast %get3A_63 : vector<1x16xf32> to vector<16xf32>
      %add3A_65 = arith.addf %get3A_58, %get3A_64 : vector<16xf32>
      %swap3A = arith.index_cast %scan3A_55 : i32 to index
      %swap3A_66 = arith.constant 0 : index
      %swap3A_67 = tpu.vector_load %arg12[%swap3A, %swap3A_66] {strides = array<i32>} : memref<128x32xf32, #tpu.memory_space<vmem>>, vector<1x16xf32>,
      %swap3A_68 = vector.shape_cast %swap3A_67 : vector<1x16xf32> to vector<16xf32>
      %swap3A_69 = vector.shape_cast %add3A_65 : vector<16xf32> to vector<1x16xf32>
      tpu.vector_store %arg12[%swap3A, %swap3A_66], %swap3A_69 {strides = array<i32>} : memref<128x32xf32, #tpu.memory_space<vmem>>, vector<1x16xf32>,
      %get3A_70 = arith.index_cast %scan3A_55 : i32 to index
      %get3A_71 = arith.constant 16 : index
      %get3A_72 = tpu.vector_load %arg8[%get3A_70, %get3A_71] {strides = array<i32>} : memref<256x32xf32, #tpu.memory_space<vmem>>, vector<1x16xf32>,
      %get3A_73 = vector.shape_cast %get3A_72 : vector<1x16xf32> to vector<16xf32>
      %add3A_74 = arith.constant 128 : i32
      %add3A_75 = arith.addi %add3A_74, %scan3A_55 : i32
      %get3A_76 = arith.index_cast %add3A_75 : i32 to index
      %get3A_77 = arith.constant 16 : index
      %get3A_78 = tpu.vector_load %arg8[%get3A_76, %get3A_77] {strides = array<i32>} : memref<256x32xf32, #tpu.memory_space<vmem>>, vector<1x16xf32>,
      %get3A_79 = vector.shape_cast %get3A_78 : vector<1x16xf32> to vector<16xf32>
      %add3A_80 = arith.addf %get3A_73, %get3A_79 : vector<16xf32>
      %swap3A_81 = arith.index_cast %scan3A_55 : i32 to index
      %swap3A_82 = arith.constant 16 : index
      %swap3A_83 = tpu.vector_load %arg12[%swap3A_81, %swap3A_82] {strides = array<i32>} : memref<128x32xf32, #tpu.memory_space<vmem>>, vector<1x16xf32>,
      %swap3A_84 = vector.shape_cast %swap3A_83 : vector<1x16xf32> to vector<16xf32>
      %swap3A_85 = vector.shape_cast %add3A_80 : vector<16xf32> to vector<1x16xf32>
      tpu.vector_store %arg12[%swap3A_81, %swap3A_82], %swap3A_85 {strides = array<i32>} : memref<128x32xf32, #tpu.memory_space<vmem>>, vector<1x16xf32>,
    }
    %scan3A_52 = arith.constant 128 : i32
    %mul3A_53 = arith.constant 128 : i32
    %mul3A_54 = arith.muli %add3A, %mul3A_53 : i32
    "tpu.region"() ({
      %run_scoped3A = tpu.sem_alloc : memref<!tpu.dma_semaphore, #tpu.memory_space<semaphore_mem>>
      %dma_start3A_55 = arith.constant 0 : i32
      %dma_start3A_56 = tpu.memref_slice %arg5[%mul3A_54, %dma_start3A_55] : memref<4096x32xf32, #tpu.memory_space<hbm>> -> memref<128x32xf32, #tpu.memory_space<hbm>>
      %dma_start3A_57 = arith.constant 0 : i32
      %dma_start3A_58 = tpu.memref_slice %arg5[%mul3A_54, %dma_start3A_57] : memref<4096x32xf32, #tpu.memory_space<hbm>> -> memref<128x32xf32, #tpu.memory_space<hbm>>
      tpu.enqueue_dma source(%arg12 : memref<128x32xf32, #tpu.memory_space<vmem>>) target(%dma_start3A_58 : memref<128x32xf32, #tpu.memory_space<hbm>>) target_semaphore(%run_scoped3A : memref<!tpu.dma_semaphore, #tpu.memory_space<semaphore_mem>>)
      %dma_wait3A_59 = arith.constant 0 : i32
      %dma_wait3A_60 = tpu.memref_slice %arg5[%mul3A_54, %dma_wait3A_59] : memref<4096x32xf32, #tpu.memory_space<hbm>> -> memref<128x32xf32, #tpu.memory_space<hbm>>
      %dma_wait3A_61 = arith.constant 0 : i32
      %dma_wait3A_62 = tpu.memref_slice %arg5[%mul3A_54, %dma_wait3A_61] : memref<4096x32xf32, #tpu.memory_space<hbm>> -> memref<128x32xf32, #tpu.memory_space<hbm>>
      tpu.wait_dma2 semaphore(%run_scoped3A : memref<!tpu.dma_semaphore, #tpu.memory_space<semaphore_mem>>) src(%arg12 : memref<128x32xf32, #tpu.memory_space<vmem>>) dst(%dma_wait3A_62 : memref<128x32xf32, #tpu.memory_space<hbm>>)
      tpu.yield
    }) : () -> ()
    return
  }
}

module attributes {stable_mosaic.version = 14 : i64} {
  func.func @_lin_body(%arg0: i32, %arg1: memref<2048x32xf32, #tpu.memory_space<vmem>>, %arg2: memref<32x128xf32, #tpu.memory_space<vmem>>, %arg3: memref<1x128xf32, #tpu.memory_space<vmem>>, %arg4: memref<2048x128xf32, #tpu.memory_space<vmem>>) attributes {dimension_semantics = [#tpu.dimension_semantics<arbitrary>], iteration_bounds = array<i64: 2>, scalar_prefetch = 0 : i64, scratch_operands = 0 : i64, tpu.core_type = #tpu.core_type<tc>, window_params = [{transform_indices = @transform_0, window_bounds = array<i64: 2048, 32>}, {pipeline_mode = #tpu.pipeline_mode<synchronous>, transform_indices = @transform_1, window_bounds = array<i64: 32, 128>}, {pipeline_mode = #tpu.pipeline_mode<synchronous>, transform_indices = @transform_2, window_bounds = array<i64: 1, 128>}, {transform_indices = @transform_3, window_bounds = array<i64: 2048, 128>}]} {
    %get3A = arith.constant 0 : index
    %get3A_0 = arith.constant 0 : index
    %get3A_1 = vector.load %arg1[%get3A, %get3A_0] : memref<2048x32xf32, #tpu.memory_space<vmem>>, vector<2048x32xf32>
    %get3A_2 = arith.constant 0 : index
    %get3A_3 = arith.constant 0 : index
    %get3A_4 = vector.load %arg2[%get3A_2, %get3A_3] : memref<32x128xf32, #tpu.memory_space<vmem>>, vector<32x128xf32>
    %dot_general3A = arith.constant dense<0.000000e+00> : vector<2048x128xf32>
    %dot_general3A_5 = tpu.matmul %get3A_1, %get3A_4, %dot_general3A {dimension_numbers = #tpu.dot_dimension_numbers<[1], [0], [0], [1], [0, 0, 1, 1], [], []>, transpose_lhs_hint = false} : vector<2048x32xf32>, vector<32x128xf32>, vector<2048x128xf32> -> vector<2048x128xf32>
    %get3A_6 = arith.constant 0 : index
    %get3A_7 = arith.constant 0 : index
    %get3A_8 = vector.load %arg3[%get3A_6, %get3A_7] : memref<1x128xf32, #tpu.memory_space<vmem>>, vector<1x128xf32>
    %add3A = vector.broadcast %get3A_8 : vector<1x128xf32> to vector<2048x128xf32>
    %add3A_9 = arith.addf %dot_general3A_5, %add3A : vector<2048x128xf32>
    %swap3A = arith.constant 0 : index
    %swap3A_10 = arith.constant 0 : index
    %swap3A_11 = vector.load %arg4[%swap3A, %swap3A_10] : memref<2048x128xf32, #tpu.memory_space<vmem>>, vector<2048x128xf32>
    tpu.vector_store %arg4[%swap3A, %swap3A_10], %add3A_9 {strides = array<i32>} : memref<2048x128xf32, #tpu.memory_space<vmem>>, vector<2048x128xf32>,
    return
  }
  func.func @transform_0(%arg0: i32) -> (i32, i32) {
    %c0_i32 = arith.constant 0 : i32
    %c0_i32_0 = arith.constant 0 : i32
    return %arg0, %c0_i32 : i32, i32
  }
  func.func @transform_1(%arg0: i32) -> (i32, i32) {
    %c0_i32 = arith.constant 0 : i32
    %c0_i32_0 = arith.constant 0 : i32
    %c0_i32_1 = arith.constant 0 : i32
    return %c0_i32, %c0_i32_0 : i32, i32
  }
  func.func @transform_2(%arg0: i32) -> (i32, i32) {
    %c0_i32 = arith.constant 0 : i32
    %c0_i32_0 = arith.constant 0 : i32
    %c0_i32_1 = arith.constant 0 : i32
    return %c0_i32, %c0_i32_0 : i32, i32
  }
  func.func @transform_3(%arg0: i32) -> (i32, i32) {
    %c0_i32 = arith.constant 0 : i32
    %c0_i32_0 = arith.constant 0 : i32
    return %arg0, %c0_i32 : i32, i32
  }
}

</mosaic_0001>

<sc_bundles>
// kernel: kernel.4.cloned.1.call-start
scs
__scs_entry_jumppad:
0x0: {  	(pc) =	sbr.rel $0x88, $3  }
0x1: {  	(tag) =	ssettag $0x0;
	lr =	simm.s32 $0x1  }
0x2: {  	[smem:$0x3F9D] =	sst lr;
	_ =	strace $0xD0000000  }
0x3: {  	_ = 	snop  }
0x4: {  	_ = 	snop  }
0x5: {  	_ = 	snop  }
0x6: {  	_ = 	snop  }
0x7: {  	_ = 	snop  }
__scs_overlays_trampoline_lowered:
0x8: {  	[smem:$0x3FAC] =	sst s0  }
0x9: {  	[smem:$0x3FAD] =	sst s1  }
0xa: {  	[smem:$0x3FAE] =	sst s2  }
0xb: {  	[smem:$0x3FAF] =	sst s3  }
0xc: {  	[smem:$0x3FB0] =	sst s4  }
0xd: {  	[smem:$0x3FB1] =	sst s5  }
0xe: {  	[smem:$0x3FB2] =	sst s6  }
0xf: {  	[smem:$0x3FB3] =	sst s7  }
0x10: {  	[smem:$0x3FB4] =	sst s8  }
0x11: {  	[smem:$0x3FB5] =	sst s9;
	s0 =	simm.s32 @!p0 $0x0  }
0x12: {  	s1 =	sld [smem:$0x3F9B];
	s0 =	simm.s32 @p0 $0x1  }
0x13: {  	[smem:$0x3FB6] =	sst s0;
	s0 =	simm.s32 @!p1 $0x0  }
0x14: {  	s2 =	sld [smem:$0x3F9A];
	s0 =	simm.s32 @p1 $0x1  }
0x15: {  	[smem:$0x3FB7] =	sst s0;
	s0 =	simm.s32 @!p2 $0x0  }
0x16: {  	s3 =	sld [smem:$0x3FDB];
	s0 =	simm.s32 @p2 $0x1  }
0x17: {  	s4 =	simm.s32 $0x1BF5;
	[smem:$0x3FB9] =	sst s0  }
0x18: {  	s0 =	sld [smem:$0x3F9C];
	_ =	swait.ge [sflag:s4], $0x0  }
0x19: {  	s7 =	sld [smem:$0x3F9D]  }
0x1a: {  	s8 =	sadd.s32 $0xFFFFE003, lr  }
0x1b: {  	s9 =	sadd.s32 $0xFFFFFEF7, lr;
	s5 =	simm.s32 $0xFFFFFFFF;
	p2 =	slt.u32 s8, $0xFFFFF086  }
0x1c: {  	p1 =	slt.u32 s9, $0xF7A;
	s5 =	simm.s32 @!p2 $0x0  }
0x1d: {  	s5 =	simm.s32 @p1 $0x1;
	p0 =	seq.s32 s7, s2  }
0x1e: {  	s7 =	smul.u32 @!p0 $0xF7A, s2;
	p2 =	seq.s32 @!p0 s5, $0x0  }
0x1f: {  	s9 =	smul.u32 $0xF7A, s1;
	s8 =	simm.s32 @!p0 $0x1BF5;
	p2 =	por !p2, p0  }
0x20: {  	[sflag:s8] =	ssyncset.s32 @!p0 $0xFFFFF086;
	s6 =	sadd.s32 @!p0 s3, s7;
	s7 =	simm.s32 @!p0 $0x108  }
0x21: {  	s3 =	sadd.s32 s3, s9;
	s6 =	sadd.s32 @!p0 $0x88, s6;
	s7 =	simm.s32 @p2 $0x1082  }
0x22: {  	[simem:s7], [sflag:s8] =	dma.local @!p0 [hbm:s6], $0xF7A  }
0x23: {  	s9 =	sor.u32 $0xD0000000, s2;
	s6 =	simm.s32 $0x108;
	_ =	swait.ge @!p0 [sflag:s8], $0x0  }
0x24: {  	s3 =	sadd.s32 $0x88, s3;
	s6 =	simm.s32 @!p1 $0x1082;
	[sflag:s4] =	ssyncset.s32 $0xFFFFF086  }
0x25: {  	[simem:s6], [sflag:s4] =	dma.local [hbm:s3], $0xF7A  }
0x26: {  	[smem:$0x3F9D] =	sst s1;
	(tag) =	ssettag s2;
	_ =	strace s9  }
0x27: {  	s1 =	sld [smem:$0x3FAD]  }
0x28: {  	s2 =	sld [smem:$0x3FAE]  }
0x29: {  	s4 =	sld [smem:$0x3FB0]  }
0x2a: {  	p0 =	seq.s32 s5, $0x0;
	s5 =	sld [smem:$0x3FB1]  }
0x2b: {  	s6 =	sld [smem:$0x3FB2]  }
0x2c: {  	s7 =	sld [smem:$0x3FB3]  }
0x2d: {  	s3 =	simm.s32 $0x108;
	s8 =	sld [smem:$0x3FB4]  }
0x2e: {  	s3 =	simm.s32 @!p0 $0x1082;
	s9 =	sld [smem:$0x3FB5]  }
0x2f: {  	lr =	sadd.s32 s0, s3;
	s0 =	sld [smem:$0x3FAC]  }
0x30: {  	s3 =	sld [smem:$0x3FAF]  }
0x31: {  	[smem:$0x3FB8] =	sst s10  }
0x32: {  	s10 =	sld [smem:$0x3FB6];
	_ =	sdelay $0x3  }
0x33: {  	p0 =	seq.s32 s10, $0x1;
	s10 =	sld [smem:$0x3FB8];
	_ =	sdelay $0x3  }
0x34: {  	[smem:$0x3FB8] =	sst s10  }
0x35: {  	s10 =	sld [smem:$0x3FB7];
	_ =	sdelay $0x3  }
0x36: {  	p1 =	seq.s32 s10, $0x1;
	s10 =	sld [smem:$0x3FB8];
	_ =	sdelay $0x3  }
0x37: {  	[smem:$0x3FB8] =	sst s10  }
0x38: {  	s10 =	sld [smem:$0x3FB9]  }
0x39: {  	_ = 	snop;
	(pc) =	sbr.ind lr, $3  }
0x3a: {  	_ = 	snop  }
0x3b: {  	_ = 	snop  }
0x3c: {  	p2 =	seq.s32 s10, $0x1;
	s10 =	sld [smem:$0x3FB8]  }
0x3d: {  	_ =	shalt  }
0x3e: {  	_ =	shalt  }
0x3f: {  	_ =	shalt  }
0x40: {  	_ =	shalt  }
0x41: {  	_ =	shalt  }
0x42: {  	_ =	shalt  }
0x43: {  	_ =	shalt  }
0x44: {  	_ =	shalt  }
0x45: {  	_ =	shalt  }
0x46: {  	_ =	shalt  }
0x47: {  	_ =	shalt  }
0x48: {  	_ =	shalt  }
0x49: {  	_ =	shalt  }
0x4a: {  	_ =	shalt  }
0x4b: {  	_ =	shalt  }
0x4c: {  	_ =	shalt  }
0x4d: {  	_ =	shalt  }
0x4e: {  	_ =	shalt  }
0x4f: {  	_ =	shalt  }
0x50: {  	_ =	shalt  }
0x51: {  	_ =	shalt  }
0x52: {  	_ =	shalt  }
0x53: {  	_ =	shalt  }
0x54: {  	_ =	shalt  }
0x55: {  	_ =	shalt  }
0x56: {  	_ =	shalt  }
0x57: {  	_ =	shalt  }
0x58: {  	_ =	shalt  }
0x59: {  	_ =	shalt  }
0x5a: {  	_ =	shalt  }
0x5b: {  	_ =	shalt  }
0x5c: {  	_ =	shalt  }
0x5d: {  	_ =	shalt  }
0x5e: {  	_ =	shalt  }
0x5f: {  	_ =	shalt  }
0x60: {  	_ =	shalt  }
0x61: {  	_ =	shalt  }
0x62: {  	_ =	shalt  }
0x63: {  	_ =	shalt  }
0x64: {  	_ =	shalt  }
0x65: {  	_ =	shalt  }
0x66: {  	_ =	shalt  }
0x67: {  	_ =	shalt  }
0x68: {  	_ =	shalt  }
0x69: {  	_ =	shalt  }
0x6a: {  	_ =	shalt  }
0x6b: {  	_ =	shalt  }
0x6c: {  	_ =	shalt  }
0x6d: {  	_ =	shalt  }
0x6e: {  	_ =	shalt  }
0x6f: {  	_ =	shalt  }
0x70: {  	_ =	shalt  }
0x71: {  	_ =	shalt  }
0x72: {  	_ =	shalt  }
0x73: {  	_ =	shalt  }
0x74: {  	_ =	shalt  }
0x75: {  	_ =	shalt  }
0x76: {  	_ =	shalt  }
0x77: {  	_ =	shalt  }
0x78: {  	_ =	shalt  }
0x79: {  	_ =	shalt  }
0x7a: {  	_ =	shalt  }
0x7b: {  	_ =	shalt  }
0x7c: {  	_ =	shalt  }
0x7d: {  	_ =	shalt  }
0x7e: {  	_ =	shalt  }
0x7f: {  	_ =	shalt  }
0x80: {  	_ =	shalt  }
0x81: {  	_ =	shalt  }
0x82: {  	_ =	shalt  }
0x83: {  	_ =	shalt  }
0x84: {  	_ =	shalt  }
0x85: {  	_ =	shalt  }
0x86: {  	_ =	shalt  }
0x87: {  	_ =	shalt  }
.Lfunc_end0:
.L_simem_size_0:
called_computation_lowered:
.L_overlay_start_0:
0x88: {  	s2 =	sld [smem:$0x3FD9]  }
0x89: {  	s3 =	sld [smem:$0x3FFE];
	_ =	sdelay $0x1  }
0x8a: {  	s1 =	srdreg.scid  }
0x8b: {  	s0 =	sand.u32 $0x1, s1  }
0x8c: {  	s17 =	sshll.u32 s0, $0xA;
	s2 =	sadd.s32 s3, s2  }
0x8d: {  	s2 =	sadd.s32 s2, s17  }
0x8e: {  	[smem:$0x3FC4] =	sst s2  }
0x8f: {  	_ = 	snop  }
0x90: {  	s2 =	sld [smem:$0x3FD0];
	(tm) =	ssettm $0x1  }
0x91: {  	s18 =	sld [smem:$0x3FFB];
	_ =	sdelay $0x3  }
0x92: {  	_ =	strace s18  }
0x93: {  	s3 =	sld [smem:$0x3FFC];
	_ =	sdelay $0x3  }
0x94: {  	_ =	strace s3  }
0x95: {  	s3 =	sld [smem:$0x3FFD];
	_ =	sdelay $0x3  }
0x96: {  	_ =	strace s3  }
0x97: {  	_ =	strace $0x8FFFFFFF  }
0x98: {  	s19 =	sld [smem:$0x3FDB];
	_ =	sdelay $0x1  }
0x99: {  	s4 =	simm.s32 $_scs_section_size  }
0x9a: {  	s5 =	simm.s32 $_size__tile_overlayer_lowered;
	s6 =	simm.s32 $_tile_overlayer_lowered  }
0x9b: {  	s22 =	simm.s32 $0x1BFF;
	s21 =	sshll.u32 s6, $0x1;
	s3 =	sadd.s32 s4, s19  }
0x9c: {  	s7 =	simm.s32 $0x0;
	s20 =	sshll.u32 s5, $0x1;
	s5 =	sadd.s32 s21, s3  }
0x9d: {  	[timem:s7], [sflag:s22] =	dma.local [hbm:s5], s20  }
0x9e: {  	_ =	swait.ge [sflag:s22], s20  }
0x9f: {  	s4 =	ssub.s32 $0x0, s20;
	[sflag:s22] =	ssyncset.done $0x0  }
0xa0: {  	[sflag:s22] =	ssyncadd.s32 s4;
	_ =	sdelay $0x1  }
0xa1: {  	s23 =	simm.s32 $0x1B8B  }
0xa2: {  	_ =	swait.ge [sflag:s23], $0x1  }
0xa3: {  	[sflag:s23] =	ssyncset.done $0x0  }
0xa4: {  	s25 =	simm.s32 $0x1B8E;
	s24 =	sld [smem:$0x3FFE];
	[sflag:s23] =	ssyncadd.s32 $0xFFFFFFFF  }
0xa5: {  	s26 =	simm.s32 $execute0_lowered;
	[smem:$0x3FD2] =	sst s25  }
0xa6: {  	s5 =	sshll.u32 s26, $0x1;
	_ =	strace $0x80000046;
	[dreg:$0x1] =	wrdreg $0xFFFFFFFF  }
0xa7: {  	s28 =	simm.s32 $_size_execute0_lowered;
	s3 =	sadd.s32 s3, s5;
	[dreg:$0x0] =	wrdreg $0x0  }
0xa8: {  	s5 =	sshll.u32 s28, $0x1;
	[dreg:$0x2] =	wrdreg s3  }
0xa9: {  	[dreg:$0x3] =	wrdreg s5  }
0xaa: {  	[dreg:$0x4] =	wrdreg $0xC0  }
0xab: {  	_ =	task [dreg:s7], $0x5FFFF  }
0xac: {  	[dreg:$0x1] =	wrdreg $0xFFFFFFFF  }
0xad: {  	[dreg:$0x0] =	wrdreg $0x60  }
0xae: {  	[dreg:$0x2] =	wrdreg s2  }
0xaf: {  	[dreg:$0x3] =	wrdreg s24  }
0xb0: {  	[dreg:$0x4] =	wrdreg $0xC2000  }
0xb1: {  	[dreg:$0x5] =	wrdreg $0x9  }
0xb2: {  	_ =	task.clear_ibuf [dreg:s7], $0x6FFFF;
	_ =	strace $0x90000046  }
0xb3: {  	s29 =	simm.s32 $0x9;
	_ =	strace $0x80000048  }
0xb4: {  	_ =	swait.ge [sflag:s29], $0x1  }
0xb5: {  	[sflag:s29] =	ssyncadd.s32 $0xFFFFFFFF  }
0xb6: {  	_ =	strace $0x90000048  }
0xb7: {  	_ =	sfence  }
0xb8: {  	s30 =	sld [smem:$0x0];
	_ =	sdelay $0x2  }
0xb9: {  	s31 =	sshll.u32 s1, $0xD;
	s1 =	sshrl.u32 s1, $0x2  }
0xba: {  	s3 =	sand.u32 $0x4000, s31;
	s1 =	sadd.s32 s1, s30  }
0xbb: {  	s0 =	sor.u32 s3, s0;
	s1 =	sshll.u32 s1, $0x11  }
0xbc: {  	s0 =	sor.u32 s1, s0  }
0xbd: {  	s0 =	sadd.s32 $0x8F2B, s0  }
0xbe: {  	[sflag:s0] =	ssyncadd.remote.s32 $0x1  }
0xbf: {  	_ =	sfence.sel $0xFFFF  }
0xc0: {  	[dreg:$0x0] =	wrdreg $0xFFFFFFFF;
	(pc) =	sbr.abs _section_cstart, $3  }
0xc1: {  	[dreg:$0x1] =	wrdreg $0xFFFFFFFF  }
0xc2: {  	_ =	task.clear_ibuf [dreg:s7], $0x2FFFF;
	_ =	strace $0x9FFFFFFF  }
0xc3: {  	(tm) =	ssettm $0x7FFFFFFF  }
tec
execute0_lowered:
.L_overlay_start_1:
0x0: {  	(tag) =	ssettag $0x1  }
0x1: {  	s0 =	rddreg [dreg:$0x0]  }
0x2: {  	s1 =	rddreg [dreg:$0x1]  }
0x3: {  	s2 =	rddreg [dreg:$0x2];
	s3 =	simm.s32 $0x0;
	s9 =	stileid.u32  }
0x4: {  	s29 =	srdreg.scid;
	s11 =	simm.s32 $0xB200;
	s12 =	simm.s32 $0x5  }
0x5: {  	s13 =	simm.s32 $0x1900;
	s14 =	simm.s32 $0x100;
	s15 =	simm.s32 $0x3200  }
0x6: {  	s16 =	simm.s32 $0x5200;
	s18 =	simm.s32 $0x7200;
	s20 =	simm.s32 $0x9200  }
0x7: {  	s21 =	simm.s32 $0x1;
	s23 =	simm.s32 $0x2;
	s26 =	simm.s32 $0x3  }
0x8: {  	s30 =	simm.s32 $0x4;
	s17 =	simm.s32 $0x2F00;
	s19 =	simm.s32 $0x3000  }
0x9: {  	s22 =	simm.s32 $0x3100;
	s24 =	simm.s32 $0x80;
	s25 =	simm.s32 $0x0  }
0xa: {  	[smem:$0x7FF] =	sst s3;
	s5 =	smul.u32 $0x320, s9;
	s3 =	sand.u32 $0x1, s29  }
0xb: {  	s6 =	sshll.u32 s9, $0x1;
	s4 =	sadd.s32 $0x18A800, s1;
	s9 =	sshll.u32 s9, $0xD  }
0xc: {  	_ =	strace $0x80000047;
	s6 =	sor.u32 s3, s6;
	s3 =	ssub.s32 $0x2, s3  }
0xd: {  	s8 =	sadd.s32 s5, s1;
	s31 =	sshll.u32 s6, $0x9;
	s7 =	sshrl.u32 s3, $0x1  }
0xe: {  	s10 =	smul.u32 $0x320, s6;
	s5 =	sadd.s32 s9, s2;
	s1 =	sadd.s32 s31, s1  }
0xf: {  	s3 =	ssub.s32 s3, s7;
	s6 =	sadd.s32 $0x1000, s5;
	s8 =	sadd.s32 $0x187600, s8  }
0x10: {  	s7 =	sadd.s32 s0, s10;
	s9 =	sadd.s32 $0xC00, s1;
	s10 =	smax.u32 s3, $0x1  }
0x11: {  	v0 =	vimm.f32 $0.0e+00;
	s0 =	simm.s32 $0x2D00;
	s1 =	simm.s32 $0x1800;
	s3 =	simm.s32 $0x2E00  }
.LBB2_1:
0x12: {  	s28 =	simm.s32 $0x80;
	s29 =	simm.s32 $0x0  }
.LBB2_2:
0x13: {  	p0 =	sne.s32 s28, $0x3F80;
	[tilespmem:s29+$0xB200] =	vst v0;
	s31 =	smov.u32 s28;
	s28 =	sadd.s32 $0x80, s28  }
.Ltmp0:
0x14: {  	[tilespmem:s29+$0xB210] =	vst v0;
	(pc) =	sbr.rel @p0 .LBB2_2-.Ltmp0, $2  }
0x15: {  	_ =	sdelay $0x2  }
0x16: {  	s29 =	sshra.s32 s31, $0x2  }
0x17: {  	[tilespmem:s29+$0xB200] =	vst v0  }
0x18: {  	[tilespmem:s29+$0xB210] =	vst v0  }
0x19: {  	[spmem:s5] =	stream.linear.scatter [tilespmem:s11], [sflag:$0x5], $0x1000, $0x38;
	[tilespmem:$0xE200] =	vst v63  }
0x1a: {  	_ =	swait.ge [sflag:s12], $0x1000  }
0x1b: {  	[sflag:s12] =	ssyncset.done $0x0  }
0x1c: {  	[sflag:s12] =	ssyncadd.s32 $0xFFFFF000  }
0x1d: {  	[spmem:s6] =	stream.linear.scatter [tilespmem:s11], [sflag:$0x5], $0x1000, $0x38;
	[tilespmem:$0xE200] =	vst v63  }
0x1e: {  	_ =	swait.ge [sflag:s12], $0x1000  }
0x1f: {  	[sflag:s12] =	ssyncset.done $0x0  }
0x20: {  	s28 =	simm.s32 $0x0;
	[sflag:s12] =	ssyncadd.s32 $0xFFFFF000  }
0x21: {  	[tilespmem:s28], [sflag:$0x5] =	stream.linear.gather [hbm4b:s7+s28], $0x1900, $0x38;
	[tilespmem:$0xE200] =	vst v63  }
0x22: {  	_ =	swait.ge [sflag:s12], $0x1900  }
0x23: {  	[sflag:s12] =	ssyncset.done $0x0  }
0x24: {  	[sflag:s12] =	ssyncadd.s32 $0xFFFFE700  }
0x25: {  	[tilespmem:s13], [sflag:$0x5] =	stream.linear.gather [hbm4b:s8+s28], $0x1900, $0x38;
	[tilespmem:$0xE200] =	vst v63  }
0x26: {  	_ =	swait.ge [sflag:s12], $0x1900  }
0x27: {  	[sflag:s12] =	ssyncset.done $0x0  }
0x28: {  	[sflag:s12] =	ssyncadd.s32 $0xFFFFE700  }
0x29: {  	[tilespmem:s15], [sflag:$0x1] =	stream.indirect.gather [hbm4b:s4+s14], $0x20, s28, s14, $0xb8;
	[tilespmem:$0xE200] =	vst v63  }
0x2a: {  	_ = 	snop  }
0x2b: {  	[tilespmem:s16], [sflag:$0x2] =	stream.indirect.gather [hbm4b:s4+s14], $0x20, s14, s14, $0xb8;
	[tilespmem:$0xE200] =	vst v63  }
0x2c: {  	s28 =	simm.s32 $0x200  }
0x2d: {  	[tilespmem:s18], [sflag:$0x3] =	stream.indirect.gather [hbm4b:s4+s14], $0x20, s28, s14, $0xb8;
	[tilespmem:$0xE200] =	vst v63  }
0x2e: {  	s28 =	simm.s32 $0x300  }
0x2f: {  	[tilespmem:s20], [sflag:$0x4] =	stream.indirect.gather [hbm4b:s4+s14], $0x20, s28, s14, $0xb8;
	[tilespmem:$0xE200] =	vst v63  }
0x30: {  	_ =	swait.ge [sflag:s21], $0x2000  }
0x31: {  	[sflag:s21] =	ssyncset.done $0x0  }
0x32: {  	[sflag:s21] =	ssyncadd.s32 $0xFFFFE000  }
0x33: {  	[spmem:s2] =	stream.indirect.scatter.add.f32 [tilespmem:s15], [sflag:$0x5], $0x20, s13, s14, $0xb8;
	[tilespmem:$0xE200] =	vst v63  }
0x34: {  	_ =	swait.ge [sflag:s12], $0x2000  }
0x35: {  	[sflag:s12] =	ssyncset.done $0x0  }
0x36: {  	s28 =	simm.s32 $0x400;
	[sflag:s12] =	ssyncadd.s32 $0xFFFFE000  }
0x37: {  	[tilespmem:s15], [sflag:$0x1] =	stream.indirect.gather [hbm4b:s4+s14], $0x20, s28, s14, $0xb8;
	[tilespmem:$0xE200] =	vst v63  }
0x38: {  	_ =	swait.ge [sflag:s23], $0x2000  }
0x39: {  	[sflag:s23] =	ssyncset.done $0x0  }
0x3a: {  	s28 =	simm.s32 $0x1A00;
	[sflag:s23] =	ssyncadd.s32 $0xFFFFE000  }
0x3b: {  	[spmem:s2] =	stream.indirect.scatter.add.f32 [tilespmem:s16], [sflag:$0x5], $0x20, s28, s14, $0xb8;
	[tilespmem:$0xE200] =	vst v63  }
0x3c: {  	_ =	swait.ge [sflag:s12], $0x2000  }
0x3d: {  	[sflag:s12] =	ssyncset.done $0x0  }
0x3e: {  	s28 =	simm.s32 $0x500;
	[sflag:s12] =	ssyncadd.s32 $0xFFFFE000  }
0x3f: {  	[tilespmem:s16], [sflag:$0x2] =	stream.indirect.gather [hbm4b:s4+s14], $0x20, s28, s14, $0xb8;
	[tilespmem:$0xE200] =	vst v63  }
0x40: {  	_ =	swait.ge [sflag:s26], $0x2000  }
0x41: {  	[sflag:s26] =	ssyncset.done $0x0  }
0x42: {  	s28 =	simm.s32 $0x1B00;
	[sflag:s26] =	ssyncadd.s32 $0xFFFFE000  }
0x43: {  	[spmem:s2] =	stream.indirect.scatter.add.f32 [tilespmem:s18], [sflag:$0x5], $0x20, s28, s14, $0xb8;
	[tilespmem:$0xE200] =	vst v63  }
0x44: {  	_ =	swait.ge [sflag:s12], $0x2000  }
0x45: {  	[sflag:s12] =	ssyncset.done $0x0  }
0x46: {  	s28 =	simm.s32 $0x600;
	[sflag:s12] =	ssyncadd.s32 $0xFFFFE000  }
0x47: {  	[tilespmem:s18], [sflag:$0x3] =	stream.indirect.gather [hbm4b:s4+s14], $0x20, s28, s14, $0xb8;
	[tilespmem:$0xE200] =	vst v63  }
0x48: {  	_ =	swait.ge [sflag:s30], $0x2000  }
0x49: {  	[sflag:s30] =	ssyncset.done $0x0  }
0x4a: {  	s28 =	simm.s32 $0x1C00;
	[sflag:s30] =	ssyncadd.s32 $0xFFFFE000  }
0x4b: {  	[spmem:s2] =	stream.indirect.scatter.add.f32 [tilespmem:s20], [sflag:$0x5], $0x20, s28, s14, $0xb8;
	[tilespmem:$0xE200] =	vst v63  }
0x4c: {  	_ =	swait.ge [sflag:s12], $0x2000  }
0x4d: {  	[sflag:s12] =	ssyncset.done $0x0  }
0x4e: {  	s28 =	simm.s32 $0x700;
	[sflag:s12] =	ssyncadd.s32 $0xFFFFE000  }
0x4f: {  	[tilespmem:s20], [sflag:$0x4] =	stream.indirect.gather [hbm4b:s4+s14], $0x20, s28, s14, $0xb8;
	[tilespmem:$0xE200] =	vst v63  }
0x50: {  	_ =	swait.ge [sflag:s21], $0x2000  }
0x51: {  	[sflag:s21] =	ssyncset.done $0x0  }
0x52: {  	s28 =	simm.s32 $0x1D00;
	[sflag:s21] =	ssyncadd.s32 $0xFFFFE000  }
0x53: {  	[spmem:s2] =	stream.indirect.scatter.add.f32 [tilespmem:s15], [sflag:$0x5], $0x20, s28, s14, $0xb8;
	[tilespmem:$0xE200] =	vst v63  }
0x54: {  	_ =	swait.ge [sflag:s12], $0x2000  }
0x55: {  	[sflag:s12] =	ssyncset.done $0x0  }
0x56: {  	s28 =	simm.s32 $0x800;
	[sflag:s12] =	ssyncadd.s32 $0xFFFFE000  }
0x57: {  	[tilespmem:s15], [sflag:$0x1] =	stream.indirect.gather [hbm4b:s4+s14], $0x20, s28, s14, $0xb8;
	[tilespmem:$0xE200] =	vst v63  }
0x58: {  	_ =	swait.ge [sflag:s23], $0x2000  }
0x59: {  	[sflag:s23] =	ssyncset.done $0x0  }
0x5a: {  	s28 =	simm.s32 $0x1E00;
	[sflag:s23] =	ssyncadd.s32 $0xFFFFE000  }
0x5b: {  	[spmem:s2] =	stream.indirect.scatter.add.f32 [tilespmem:s16], [sflag:$0x5], $0x20, s28, s14, $0xb8;
	[tilespmem:$0xE200] =	vst v63  }
0x5c: {  	_ =	swait.ge [sflag:s12], $0x2000  }
0x5d: {  	[sflag:s12] =	ssyncset.done $0x0  }
0x5e: {  	s28 =	simm.s32 $0x900;
	[sflag:s12] =	ssyncadd.s32 $0xFFFFE000  }
0x5f: {  	[tilespmem:s16], [sflag:$0x2] =	stream.indirect.gather [hbm4b:s4+s14], $0x20, s28, s14, $0xb8;
	[tilespmem:$0xE200] =	vst v63  }
0x60: {  	_ =	swait.ge [sflag:s26], $0x2000  }
0x61: {  	[sflag:s26] =	ssyncset.done $0x0  }
0x62: {  	s28 =	simm.s32 $0x1F00;
	[sflag:s26] =	ssyncadd.s32 $0xFFFFE000  }
0x63: {  	[spmem:s2] =	stream.indirect.scatter.add.f32 [tilespmem:s18], [sflag:$0x5], $0x20, s28, s14, $0xb8;
	[tilespmem:$0xE200] =	vst v63  }
0x64: {  	_ =	swait.ge [sflag:s12], $0x2000  }
0x65: {  	[sflag:s12] =	ssyncset.done $0x0  }
0x66: {  	s28 =	simm.s32 $0xA00;
	[sflag:s12] =	ssyncadd.s32 $0xFFFFE000  }
0x67: {  	[tilespmem:s18], [sflag:$0x3] =	stream.indirect.gather [hbm4b:s4+s14], $0x20, s28, s14, $0xb8;
	[tilespmem:$0xE200] =	vst v63  }
0x68: {  	_ =	swait.ge [sflag:s30], $0x2000  }
0x69: {  	[sflag:s30] =	ssyncset.done $0x0  }
0x6a: {  	s28 =	simm.s32 $0x2000;
	[sflag:s30] =	ssyncadd.s32 $0xFFFFE000  }
0x6b: {  	[spmem:s2] =	stream.indirect.scatter.add.f32 [tilespmem:s20], [sflag:$0x5], $0x20, s28, s14, $0xb8;
	[tilespmem:$0xE200] =	vst v63  }
0x6c: {  	_ =	swait.ge [sflag:s12], $0x2000  }
0x6d: {  	[sflag:s12] =	ssyncset.done $0x0  }
0x6e: {  	s28 =	simm.s32 $0xB00;
	[sflag:s12] =	ssyncadd.s32 $0xFFFFE000  }
0x6f: {  	[tilespmem:s20], [sflag:$0x4] =	stream.indirect.gather [hbm4b:s4+s14], $0x20, s28, s14, $0xb8;
	[tilespmem:$0xE200] =	vst v63  }
0x70: {  	_ =	swait.ge [sflag:s21], $0x2000  }
0x71: {  	[sflag:s21] =	ssyncset.done $0x0  }
0x72: {  	s28 =	simm.s32 $0x2100;
	[sflag:s21] =	ssyncadd.s32 $0xFFFFE000  }
0x73: {  	[spmem:s2] =	stream.indirect.scatter.add.f32 [tilespmem:s15], [sflag:$0x5], $0x20, s28, s14, $0xb8;
	[tilespmem:$0xE200] =	vst v63  }
0x74: {  	_ =	swait.ge [sflag:s12], $0x2000  }
0x75: {  	[sflag:s12] =	ssyncset.done $0x0  }
0x76: {  	s28 =	simm.s32 $0xC00;
	[sflag:s12] =	ssyncadd.s32 $0xFFFFE000  }
0x77: {  	[tilespmem:s15], [sflag:$0x1] =	stream.indirect.gather [hbm4b:s4+s14], $0x20, s28, s14, $0xb8;
	[tilespmem:$0xE200] =	vst v63  }
0x78: {  	_ =	swait.ge [sflag:s23], $0x2000  }
0x79: {  	[sflag:s23] =	ssyncset.done $0x0  }
0x7a: {  	s28 =	simm.s32 $0x2200;
	[sflag:s23] =	ssyncadd.s32 $0xFFFFE000  }
0x7b: {  	[spmem:s2] =	stream.indirect.scatter.add.f32 [tilespmem:s16], [sflag:$0x5], $0x20, s28, s14, $0xb8;
	[tilespmem:$0xE200] =	vst v63  }
0x7c: {  	_ =	swait.ge [sflag:s12], $0x2000  }
0x7d: {  	[sflag:s12] =	ssyncset.done $0x0  }
0x7e: {  	s28 =	simm.s32 $0xD00;
	[sflag:s12] =	ssyncadd.s32 $0xFFFFE000  }
0x7f: {  	[tilespmem:s16], [sflag:$0x2] =	stream.indirect.gather [hbm4b:s4+s14], $0x20, s28, s14, $0xb8;
	[tilespmem:$0xE200] =	vst v63  }
0x80: {  	_ =	swait.ge [sflag:s26], $0x2000  }
0x81: {  	[sflag:s26] =	ssyncset.done $0x0  }
0x82: {  	s28 =	simm.s32 $0x2300;
	[sflag:s26] =	ssyncadd.s32 $0xFFFFE000  }
0x83: {  	[spmem:s2] =	stream.indirect.scatter.add.f32 [tilespmem:s18], [sflag:$0x5], $0x20, s28, s14, $0xb8;
	[tilespmem:$0xE200] =	vst v63  }
0x84: {  	_ =	swait.ge [sflag:s12], $0x2000  }
0x85: {  	[sflag:s12] =	ssyncset.done $0x0  }
0x86: {  	s28 =	simm.s32 $0xE00;
	[sflag:s12] =	ssyncadd.s32 $0xFFFFE000  }
0x87: {  	[tilespmem:s18], [sflag:$0x3] =	stream.indirect.gather [hbm4b:s4+s14], $0x20, s28, s14, $0xb8;
	[tilespmem:$0xE200] =	vst v63  }
0x88: {  	_ =	swait.ge [sflag:s30], $0x2000  }
0x89: {  	[sflag:s30] =	ssyncset.done $0x0  }
0x8a: {  	s28 =	simm.s32 $0x2400;
	[sflag:s30] =	ssyncadd.s32 $0xFFFFE000  }
0x8b: {  	[spmem:s2] =	stream.indirect.scatter.add.f32 [tilespmem:s20], [sflag:$0x5], $0x20, s28, s14, $0xb8;
	[tilespmem:$0xE200] =	vst v63  }
0x8c: {  	_ =	swait.ge [sflag:s12], $0x2000  }
0x8d: {  	[sflag:s12] =	ssyncset.done $0x0  }
0x8e: {  	s28 =	simm.s32 $0xF00;
	[sflag:s12] =	ssyncadd.s32 $0xFFFFE000  }
0x8f: {  	[tilespmem:s20], [sflag:$0x4] =	stream.indirect.gather [hbm4b:s4+s14], $0x20, s28, s14, $0xb8;
	[tilespmem:$0xE200] =	vst v63  }
0x90: {  	_ =	swait.ge [sflag:s21], $0x2000  }
0x91: {  	[sflag:s21] =	ssyncset.done $0x0  }
0x92: {  	s28 =	simm.s32 $0x2500;
	[sflag:s21] =	ssyncadd.s32 $0xFFFFE000  }
0x93: {  	[spmem:s2] =	stream.indirect.scatter.add.f32 [tilespmem:s15], [sflag:$0x5], $0x20, s28, s14, $0xb8;
	[tilespmem:$0xE200] =	vst v63  }
0x94: {  	_ =	swait.ge [sflag:s12], $0x2000  }
0x95: {  	[sflag:s12] =	ssyncset.done $0x0  }
0x96: {  	s28 =	simm.s32 $0x1000;
	[sflag:s12] =	ssyncadd.s32 $0xFFFFE000  }
0x97: {  	[tilespmem:s15], [sflag:$0x1] =	stream.indirect.gather [hbm4b:s4+s14], $0x20, s28, s14, $0xb8;
	[tilespmem:$0xE200] =	vst v63  }
0x98: {  	_ =	swait.ge [sflag:s23], $0x2000  }
0x99: {  	[sflag:s23] =	ssyncset.done $0x0  }
0x9a: {  	s28 =	simm.s32 $0x2600;
	[sflag:s23] =	ssyncadd.s32 $0xFFFFE000  }
0x9b: {  	[spmem:s2] =	stream.indirect.scatter.add.f32 [tilespmem:s16], [sflag:$0x5], $0x20, s28, s14, $0xb8;
	[tilespmem:$0xE200] =	vst v63  }
0x9c: {  	_ =	swait.ge [sflag:s12], $0x2000  }
0x9d: {  	[sflag:s12] =	ssyncset.done $0x0  }
0x9e: {  	s28 =	simm.s32 $0x1100;
	[sflag:s12] =	ssyncadd.s32 $0xFFFFE000  }
0x9f: {  	[tilespmem:s16], [sflag:$0x2] =	stream.indirect.gather [hbm4b:s4+s14], $0x20, s28, s14, $0xb8;
	[tilespmem:$0xE200] =	vst v63  }
0xa0: {  	_ =	swait.ge [sflag:s26], $0x2000  }
0xa1: {  	[sflag:s26] =	ssyncset.done $0x0  }
0xa2: {  	s28 =	simm.s32 $0x2700;
	[sflag:s26] =	ssyncadd.s32 $0xFFFFE000  }
0xa3: {  	[spmem:s2] =	stream.indirect.scatter.add.f32 [tilespmem:s18], [sflag:$0x5], $0x20, s28, s14, $0xb8;
	[tilespmem:$0xE200] =	vst v63  }
0xa4: {  	_ =	swait.ge [sflag:s12], $0x2000  }
0xa5: {  	[sflag:s12] =	ssyncset.done $0x0  }
0xa6: {  	s28 =	simm.s32 $0x1200;
	[sflag:s12] =	ssyncadd.s32 $0xFFFFE000  }
0xa7: {  	[tilespmem:s18], [sflag:$0x3] =	stream.indirect.gather [hbm4b:s4+s14], $0x20, s28, s14, $0xb8;
	[tilespmem:$0xE200] =	vst v63  }
0xa8: {  	_ =	swait.ge [sflag:s30], $0x2000  }
0xa9: {  	[sflag:s30] =	ssyncset.done $0x0  }
0xaa: {  	s28 =	simm.s32 $0x2800;
	[sflag:s30] =	ssyncadd.s32 $0xFFFFE000  }
0xab: {  	[spmem:s2] =	stream.indirect.scatter.add.f32 [tilespmem:s20], [sflag:$0x5], $0x20, s28, s14, $0xb8;
	[tilespmem:$0xE200] =	vst v63  }
0xac: {  	_ =	swait.ge [sflag:s12], $0x2000  }
0xad: {  	[sflag:s12] =	ssyncset.done $0x0  }
0xae: {  	s28 =	simm.s32 $0x1300;
	[sflag:s12] =	ssyncadd.s32 $0xFFFFE000  }
0xaf: {  	[tilespmem:s20], [sflag:$0x4] =	stream.indirect.gather [hbm4b:s4+s14], $0x20, s28, s14, $0xb8;
	[tilespmem:$0xE200] =	vst v63  }
0xb0: {  	_ =	swait.ge [sflag:s21], $0x2000  }
0xb1: {  	[sflag:s21] =	ssyncset.done $0x0  }
0xb2: {  	s28 =	simm.s32 $0x2900;
	[sflag:s21] =	ssyncadd.s32 $0xFFFFE000  }
0xb3: {  	[spmem:s2] =	stream.indirect.scatter.add.f32 [tilespmem:s15], [sflag:$0x5], $0x20, s28, s14, $0xb8;
	[tilespmem:$0xE200] =	vst v63  }
0xb4: {  	_ =	swait.ge [sflag:s12], $0x2000  }
0xb5: {  	[sflag:s12] =	ssyncset.done $0x0  }
0xb6: {  	s28 =	simm.s32 $0x1400;
	[sflag:s12] =	ssyncadd.s32 $0xFFFFE000  }
0xb7: {  	[tilespmem:s15], [sflag:$0x1] =	stream.indirect.gather [hbm4b:s4+s14], $0x20, s28, s14, $0xb8;
	[tilespmem:$0xE200] =	vst v63  }
0xb8: {  	_ =	swait.ge [sflag:s23], $0x2000  }
0xb9: {  	[sflag:s23] =	ssyncset.done $0x0  }
0xba: {  	s28 =	simm.s32 $0x2A00;
	[sflag:s23] =	ssyncadd.s32 $0xFFFFE000  }
0xbb: {  	[spmem:s2] =	stream.indirect.scatter.add.f32 [tilespmem:s16], [sflag:$0x5], $0x20, s28, s14, $0xb8;
	[tilespmem:$0xE200] =	vst v63  }
0xbc: {  	_ =	swait.ge [sflag:s12], $0x2000  }
0xbd: {  	[sflag:s12] =	ssyncset.done $0x0  }
0xbe: {  	s28 =	simm.s32 $0x1500;
	[sflag:s12] =	ssyncadd.s32 $0xFFFFE000  }
0xbf: {  	[tilespmem:s16], [sflag:$0x2] =	stream.indirect.gather [hbm4b:s4+s14], $0x20, s28, s14, $0xb8;
	[tilespmem:$0xE200] =	vst v63  }
0xc0: {  	_ =	swait.ge [sflag:s26], $0x2000  }
0xc1: {  	[sflag:s26] =	ssyncset.done $0x0  }
0xc2: {  	s28 =	simm.s32 $0x2B00;
	[sflag:s26] =	ssyncadd.s32 $0xFFFFE000  }
0xc3: {  	[spmem:s2] =	stream.indirect.scatter.add.f32 [tilespmem:s18], [sflag:$0x5], $0x20, s28, s14, $0xb8;
	[tilespmem:$0xE200] =	vst v63  }
0xc4: {  	_ =	swait.ge [sflag:s12], $0x2000  }
0xc5: {  	[sflag:s12] =	ssyncset.done $0x0  }
0xc6: {  	s28 =	simm.s32 $0x1600;
	[sflag:s12] =	ssyncadd.s32 $0xFFFFE000  }
0xc7: {  	[tilespmem:s18], [sflag:$0x3] =	stream.indirect.gather [hbm4b:s4+s14], $0x20, s28, s14, $0xb8;
	[tilespmem:$0xE200] =	vst v63  }
0xc8: {  	_ =	swait.ge [sflag:s30], $0x2000  }
0xc9: {  	[sflag:s30] =	ssyncset.done $0x0  }
0xca: {  	s28 =	simm.s32 $0x2C00;
	[sflag:s30] =	ssyncadd.s32 $0xFFFFE000  }
0xcb: {  	[spmem:s2] =	stream.indirect.scatter.add.f32 [tilespmem:s20], [sflag:$0x5], $0x20, s28, s14, $0xb8;
	[tilespmem:$0xE200] =	vst v63  }
0xcc: {  	_ =	swait.ge [sflag:s12], $0x2000  }
0xcd: {  	[sflag:s12] =	ssyncset.done $0x0  }
0xce: {  	s28 =	simm.s32 $0x1700;
	[sflag:s12] =	ssyncadd.s32 $0xFFFFE000  }
0xcf: {  	[tilespmem:s20], [sflag:$0x4] =	stream.indirect.gather [hbm4b:s4+s14], $0x20, s28, s14, $0xb8;
	[tilespmem:$0xE200] =	vst v63  }
0xd0: {  	_ =	swait.ge [sflag:s21], $0x2000  }
0xd1: {  	[sflag:s21] =	ssyncset.done $0x0  }
0xd2: {  	[sflag:s21] =	ssyncadd.s32 $0xFFFFE000  }
0xd3: {  	[spmem:s2] =	stream.indirect.scatter.add.f32 [tilespmem:s15], [sflag:$0x5], $0x20, s0, s14, $0xb8;
	[tilespmem:$0xE200] =	vst v63  }
0xd4: {  	_ =	swait.ge [sflag:s12], $0x2000  }
0xd5: {  	[sflag:s12] =	ssyncset.done $0x0  }
0xd6: {  	[sflag:s12] =	ssyncadd.s32 $0xFFFFE000  }
0xd7: {  	[tilespmem:s15], [sflag:$0x1] =	stream.indirect.gather [hbm4b:s4+s14], $0x20, s1, s14, $0xb8;
	[tilespmem:$0xE200] =	vst v63  }
0xd8: {  	_ =	swait.ge [sflag:s23], $0x2000  }
0xd9: {  	[sflag:s23] =	ssyncset.done $0x0  }
0xda: {  	[sflag:s23] =	ssyncadd.s32 $0xFFFFE000  }
0xdb: {  	[spmem:s2] =	stream.indirect.scatter.add.f32 [tilespmem:s16], [sflag:$0x5], $0x20, s3, s14, $0xb8;
	[tilespmem:$0xE200] =	vst v63  }
0xdc: {  	_ =	swait.ge [sflag:s12], $0x2000  }
0xdd: {  	[sflag:s12] =	ssyncset.done $0x0  }
0xde: {  	[sflag:s12] =	ssyncadd.s32 $0xFFFFE000  }
0xdf: {  	_ =	swait.ge [sflag:s26], $0x2000  }
0xe0: {  	[sflag:s26] =	ssyncset.done $0x0  }
0xe1: {  	[sflag:s26] =	ssyncadd.s32 $0xFFFFE000  }
0xe2: {  	[spmem:s2] =	stream.indirect.scatter.add.f32 [tilespmem:s18], [sflag:$0x5], $0x20, s17, s14, $0xb8;
	[tilespmem:$0xE200] =	vst v63  }
0xe3: {  	_ =	swait.ge [sflag:s12], $0x2000  }
0xe4: {  	[sflag:s12] =	ssyncset.done $0x0  }
0xe5: {  	[sflag:s12] =	ssyncadd.s32 $0xFFFFE000  }
0xe6: {  	_ =	swait.ge [sflag:s30], $0x2000  }
0xe7: {  	[sflag:s30] =	ssyncset.done $0x0  }
0xe8: {  	[sflag:s30] =	ssyncadd.s32 $0xFFFFE000  }
0xe9: {  	[spmem:s2] =	stream.indirect.scatter.add.f32 [tilespmem:s20], [sflag:$0x5], $0x20, s19, s14, $0xb8;
	[tilespmem:$0xE200] =	vst v63  }
0xea: {  	_ =	swait.ge [sflag:s12], $0x2000  }
0xeb: {  	[sflag:s12] =	ssyncset.done $0x0  }
0xec: {  	[sflag:s12] =	ssyncadd.s32 $0xFFFFE000  }
0xed: {  	_ =	swait.ge [sflag:s21], $0x2000  }
0xee: {  	[sflag:s21] =	ssyncset.done $0x0  }
0xef: {  	[sflag:s21] =	ssyncadd.s32 $0xFFFFE000  }
0xf0: {  	[spmem:s2] =	stream.indirect.scatter.add.f32 [tilespmem:s15], [sflag:$0x5], $0x20, s22, s14, $0xb8;
	[tilespmem:$0xE200] =	vst v63  }
0xf1: {  	_ =	swait.ge [sflag:s12], $0x2000  }
0xf2: {  	[sflag:s12] =	ssyncset.done $0x0  }
0xf3: {  	[sflag:s12] =	ssyncadd.s32 $0xFFFFE000  }
0xf4: {  	[spmem:s2] =	stream.indirect.scatter.add.f32 [tilespmem:s11], [sflag:$0x5], $0x20, s13, s24, $0xb8;
	[tilespmem:$0xE200] =	vst v63  }
0xf5: {  	_ =	swait.ge [sflag:s12], $0x1000  }
0xf6: {  	[sflag:s12] =	ssyncset.done $0x0  }
0xf7: {  	[sflag:s12] =	ssyncadd.s32 $0xFFFFF000  }
0xf8: {  	[tilespmem:s15], [sflag:$0x5] =	stream.linear.gather [spmem:s5], $0x2000, $0x38;
	[tilespmem:$0xE200] =	vst v63  }
0xf9: {  	_ =	swait.ge [sflag:s12], $0x2000  }
0xfa: {  	[sflag:s12] =	ssyncset.done $0x0  }
0xfb: {  	s28 =	simm.s32 $0x0;
	[sflag:s12] =	ssyncadd.s32 $0xFFFFE000  }
0xfc: {  	v1 =	vld [tilespmem:s28+$0x3210]  }
0xfd: {  	v3 =	vld [tilespmem:s28+$0x4210]  }
0xfe: {  	v2 =	vld [tilespmem:s28+$0x3200]  }
0xff: {  	v4 =	vld [tilespmem:s28+$0x4200]  }
0x100: {  	s29 =	simm.s32 $0x80  }
.LBB2_4:
0x101: {  	s31 =	sshra.s32 s29, $0x2;
	p0 =	sne.s32 s29, $0x3F80  }
.Ltmp1:
0x102: {  	s29 =	sadd.s32 $0x80, s29;
	v5 =	vadd.f32 v3, v1;
	v1 =	vld [tilespmem:s31+$0x3210];
	(pc) =	sbr.rel @p0 .LBB2_4-.Ltmp1, $4  }
0x103: {  	v3 =	vld [tilespmem:s31+$0x4210]  }
0x104: {  	v6 =	vadd.f32 v4, v2;
	v2 =	vld [tilespmem:s31+$0x3200];
	[tilespmem:s28+$0xB210] =	vst v5  }
0x105: {  	v4 =	vld [tilespmem:s31+$0x4200]  }
0x106: {  	[tilespmem:s28+$0xB200] =	vst v6;
	s28 =	smov.u32 s31  }
0x107: {  	_ =	sdelay $0x1  }
0x108: {  	v1 =	vadd.f32 v3, v1  }
0x109: {  	s25 =	sadd.s32 $0x1, s25;
	v2 =	vadd.f32 v4, v2  }
0x10a: {  	p0 =	sne.s32 s25, s10;
	[tilespmem:s28+$0xB210] =	vst v1  }
.Ltmp2:
0x10b: {  	s31 =	simm.s32 $0x0;
	[tilespmem:s28+$0xB200] =	vst v2;
	(pc) =	sbr.rel @p0 .LBB2_1-.Ltmp2, $4  }
0x10c: {  	[hbm4b:s9+s31] =	stream.linear.scatter [tilespmem:s11], [sflag:$0x5], $0x1000, $0x38;
	[tilespmem:$0xE200] =	vst v63  }
0x10d: {  	_ =	swait.ge [sflag:s12], $0x1000  }
0x10e: {  	[sflag:s12] =	ssyncset.done $0x0  }
0x10f: {  	[sflag:s12] =	ssyncadd.s32 $0xFFFFF000  }
0x110: {  	_ =	sfence.sel $0x180000  }
0x111: {  	[bflag:$0x0] =	sbarrier.arrive $0xFFFF  }
0x112: {  	_ =	strace $0x90000047  }
0x113: {  	s0 =	stileid.u32;
	[bflag:$0x2] =	sbarrier.arrive $0xFFFF  }
0x114: {  	p0 =	sne.s32 s0, $0x0;
	s0 =	rddreg [dreg:$0x3]  }
0x115: {  	s0 =	sadd.s32 @!p0 $0x100000, s0  }
0x116: {  	[sflag:s0] =	ssyncadd.tile.s32 @!p0 $0x1;
	_ =	shalt  }
.Lfunc_end2:
_tile_overlayer_lowered:
.L_overlay_start_2:
0x117: {  	(tag) =	ssettag $0x2  }
0x118: {  	s0 =	rddreg [dreg:$0x0];
	s2 =	stileid.u32  }
0x119: {  	s1 =	rddreg [dreg:$0x1];
	p0 =	sne.s32 s2, $0x0  }
0x11a: {  	s3 =	rddreg [dreg:$0x2];
	[bflag:$0x3] =	sbarrier.arrive $0xFFFF;
	s2 =	simm.s32 @!p0 $0x1C05  }
0x11b: {  	[timem:s3], [sflag:s2] =	dma.local @!p0 [hbm:s0], s1  }
0x11c: {  	s0 =	simm.s32 @!p0 $0x5  }
0x11d: {  	_ =	swait.ge @!p0 [sflag:s0], s1  }
0x11e: {  	s1 =	ssub.s32 @!p0 $0x0, s1;
	[sflag:s0] =	ssyncset.done @!p0 $0x0  }
0x11f: {  	[sflag:s0] =	ssyncadd.s32 @!p0 s1  }
0x120: {  	[bflag:$0x3] =	sbarrier.arrive $0xFFFF  }
0x121: {  	_ =	shalt  }

</sc_bundles>
